<compile_context>
chip_gen: v7x
topology: tpu7x:2x2x1
jax: 0.10.2.dev20260603
libtpu: 0.0.44.dev20260713+nightly
codegen_flags: <defaults>
</compile_context>

<pallas_src>
import functools

import jax
import jax.numpy as jnp
from jax import lax
from jax.experimental import pallas as pl
from jax.experimental.pallas import tpu as pltpu
from jax.experimental.pallas import tpu_sc as plsc

_N = 10000
_E = 320000
_K = 80
_NC = 2
_NS = 16
_L = 16
_NB = 1000


def _vgather(v, idx):
    dnums = lax.GatherDimensionNumbers(
        offset_dims=(), collapsed_slice_dims=(0,), start_index_map=(0,))
    return lax.gather(v, idx[:, None], dnums, (1,),
                      mode=lax.GatherScatterMode.PROMISE_IN_BOUNDS)


def _make_edge_phase(F, H):
    FT = F + _L
    CHUNKS = _E // _K
    W = _NC * _NS
    CPW = -(-CHUNKS // W)
    CPH = -(-CPW // 2)
    ROWS_T = _N // _NS
    ZR = 25
    FH = F // H
    mesh = plsc.VectorSubcoreMesh(core_axis_name="c", subcore_axis_name="s",
                                  num_cores=_NC, num_subcores=_NS)

    @functools.partial(
        pl.kernel,
        out_type=jax.ShapeDtypeStruct((_NC, _N, FT), jnp.float32),
        mesh=mesh,
        scratch_types=[
            pltpu.VMEM((2, _K), jnp.int32),
            pltpu.VMEM((2, _K), jnp.int32),
            pltpu.VMEM((_K, FT), jnp.float32),
            pltpu.VMEM((_K, FT), jnp.float32),
            pltpu.VMEM((_K, _L), jnp.float32),
            pltpu.VMEM((_K, _L), jnp.float32),
            pltpu.VMEM_SHARED((_N, FT), jnp.float32),
            pltpu.SemaphoreType.DMA,
            pltpu.SemaphoreType.DMA,
        ],
        compiler_params=pltpu.CompilerParams(use_tc_tiling_on_sc=False),
    )
    def edge_phase(h_hbm, edges_hbm, table_hbm, out_hbm,
                   eidx0_v, eidx1_v, rows0_v, rows1_v, drow0_v, drow1_v,
                   accum_sh, sem0, sem1):
        core = lax.axis_index("c")
        sub = lax.axis_index("s")
        wid = sub * _NC + core
        lane = lax.iota(jnp.int32, _L)
        bufs = ((eidx0_v, rows0_v, drow0_v, sem0),
                (eidx1_v, rows1_v, drow1_v, sem1))

        @pl.loop(0, _K)
        def _(r):
            @pl.loop(0, FT, step=_L)
            def _(cidx):
                rows0_v[r, pl.ds(cidx, _L)] = jnp.zeros((_L,), jnp.float32)

        @pl.loop(0, ROWS_T // ZR)
        def _(i):
            pltpu.sync_copy(rows0_v.at[pl.ds(0, ZR)],
                            accum_sh.at[pl.ds(sub * ROWS_T + i * ZR, ZR)])
        plsc.subcore_barrier()

        shift_idx = jnp.minimum(lane + H, _L - 1)
        pmask = lane < H

        def start(c, s):
            eidx_v, rows_v, drow_v, sem = bufs[s]
            off = c * _K
            pltpu.sync_copy(edges_hbm.at[:, pl.ds(off, _K)], eidx_v)
            pltpu.async_copy(h_hbm.at[eidx_v.at[0]], rows_v, sem)
            pltpu.async_copy(table_hbm.at[eidx_v.at[1]], drow_v, sem)

        def finish(c, s):
            eidx_v, rows_v, drow_v, sem = bufs[s]
            pltpu.make_async_copy(h_hbm.at[eidx_v.at[0]], rows_v, sem).wait()
            pltpu.make_async_copy(table_hbm.at[eidx_v.at[1]], drow_v, sem).wait()

            @pl.loop(0, _K)
            def _(j):
                sv = rows_v[j, pl.ds(F, _L)]
                dv = drow_v[j, pl.ds(0, _L)]
                dsh = _vgather(dv, shift_idx)
                e = sv + dsh
                e = jnp.maximum(e, 0.2 * e)
                pe = jnp.exp(e)
                for h in range(H):
                    phv = _vgather(pe, jnp.full((_L,), h, jnp.int32))
                    for v in range(FH // _L):
                        col = h * FH + v * _L
                        rows_v[j, pl.ds(col, _L)] = (
                            rows_v[j, pl.ds(col, _L)] * phv)
                rows_v[j, pl.ds(F, _L)] = jnp.where(pmask, pe, 0.0)

            pltpu.sync_copy(rows_v, accum_sh.at[eidx_v.at[1]], add=True)

        @pl.when(wid < CHUNKS)
        def _():
            start(wid, 0)

        @pl.loop(0, CPH)
        def _(t):
            c0 = wid + (2 * t) * W
            c1 = c0 + W
            c2 = c1 + W

            @pl.when(c1 < CHUNKS)
            def _():
                start(c1, 1)

            @pl.when(c0 < CHUNKS)
            def _():
                finish(c0, 0)

            @pl.when(c2 < CHUNKS)
            def _():
                start(c2, 0)

            @pl.when(c1 < CHUNKS)
            def _():
                finish(c1, 1)

        plsc.subcore_barrier()
        pltpu.sync_copy(accum_sh.at[pl.ds(sub * ROWS_T, ROWS_T)],
                        out_hbm.at[core, pl.ds(sub * ROWS_T, ROWS_T)])

    return edge_phase


_edge1 = _make_edge_phase(128, 2)
_edge2 = _make_edge_phase(64, 1)


def _tc1(x, W1, a_src1, a_dst1):
    def body(x_ref, w_ref, as_ref, ad_ref, h_ref, sc_ref):
        h = jnp.dot(x_ref[...], w_ref[...],
                    preferred_element_type=jnp.float32)
        cols = []
        for hh in range(2):
            cols.append(jnp.sum(h[:, hh * 64:(hh + 1) * 64]
                                * as_ref[hh][None, :], axis=1))
        for hh in range(2):
            cols.append(jnp.sum(h[:, hh * 64:(hh + 1) * 64]
                                * ad_ref[hh][None, :], axis=1))
        tab = jnp.stack(cols, axis=1)
        sc16 = jnp.concatenate(
            [tab, jnp.zeros((tab.shape[0], 12), jnp.float32)], axis=1)
        h_ref[...] = jnp.concatenate([h, sc16], axis=1)
        sc_ref[...] = sc16

    return pl.pallas_call(
        body,
        grid=(_N // _NB,),
        in_specs=[pl.BlockSpec((_NB, 128), lambda i: (i, 0)),
                  pl.BlockSpec((128, 128), lambda i: (0, 0)),
                  pl.BlockSpec((2, 64), lambda i: (0, 0)),
                  pl.BlockSpec((2, 64), lambda i: (0, 0))],
        out_specs=[pl.BlockSpec((_NB, 144), lambda i: (i, 0)),
                   pl.BlockSpec((_NB, 16), lambda i: (i, 0))],
        out_shape=[jax.ShapeDtypeStruct((_N, 144), jnp.float32),
                   jax.ShapeDtypeStruct((_N, 16), jnp.float32)],
    )(x, W1, a_src1, a_dst1)


def _tc2(acc, b1, W2, a_src2, a_dst2):
    def body(a_ref, b1_ref, w_ref, as_ref, ad_ref, h_ref, sc_ref):
        g = a_ref[0] + a_ref[1]
        parts = []
        for hh in range(2):
            num = g[:, hh * 64:(hh + 1) * 64]
            den = g[:, 128 + hh:129 + hh]
            parts.append(num / (den + 1e-16))
        out1 = jnp.concatenate(parts, axis=1) + b1_ref[...]
        r = jnp.maximum(out1, 0.0)
        h2 = jnp.dot(r, w_ref[...], preferred_element_type=jnp.float32)
        tab = jnp.stack(
            [jnp.sum(h2 * as_ref[0][None, :], axis=1),
             jnp.sum(h2 * ad_ref[0][None, :], axis=1)], axis=1)
        sc16 = jnp.concatenate(
            [tab, jnp.zeros((tab.shape[0], 14), jnp.float32)], axis=1)
        h_ref[...] = jnp.concatenate([h2, sc16], axis=1)
        sc_ref[...] = sc16

    return pl.pallas_call(
        body,
        grid=(_N // _NB,),
        in_specs=[pl.BlockSpec((2, _NB, 144), lambda i: (0, i, 0)),
                  pl.BlockSpec((1, 128), lambda i: (0, 0)),
                  pl.BlockSpec((128, 64), lambda i: (0, 0)),
                  pl.BlockSpec((1, 64), lambda i: (0, 0)),
                  pl.BlockSpec((1, 64), lambda i: (0, 0))],
        out_specs=[pl.BlockSpec((_NB, 80), lambda i: (i, 0)),
                   pl.BlockSpec((_NB, 16), lambda i: (i, 0))],
        out_shape=[jax.ShapeDtypeStruct((_N, 80), jnp.float32),
                   jax.ShapeDtypeStruct((_N, 16), jnp.float32)],
    )(acc, b1, W2, a_src2, a_dst2)


def _tc3(acc, b2):
    def body(a_ref, b2_ref, z_ref):
        g = a_ref[0] + a_ref[1]
        z_ref[...] = g[:, :64] / (g[:, 64:65] + 1e-16) + b2_ref[...]

    return pl.pallas_call(
        body,
        grid=(_N // _NB,),
        in_specs=[pl.BlockSpec((2, _NB, 80), lambda i: (0, i, 0)),
                  pl.BlockSpec((1, 64), lambda i: (0, 0))],
        out_specs=pl.BlockSpec((_NB, 64), lambda i: (i, 0)),
        out_shape=jax.ShapeDtypeStruct((_N, 64), jnp.float32),
    )(acc, b2)


def kernel(x, edge_index, W1, a_src1, a_dst1, b1, W2, a_src2, a_dst2, b2):
    h1ext, tab1 = _tc1(x, W1, a_src1, a_dst1)
    acc1 = _edge1(h1ext, edge_index, tab1)
    h2ext, tab2 = _tc2(acc1, b1.reshape(1, 128), W2, a_src2, a_dst2)
    acc2 = _edge2(h2ext, edge_index, tab2)
    return _tc3(acc2, b2.reshape(1, 64))

# --- scband reference (transcript-rebuilt; emitter-appended) ---
"""Pipeline reference for scband-gat-86088324481664 (READ-ONLY COPY).

The authoritative reference and input builder live on the scoring server;
editing this copy changes nothing except your own understanding.
"""

import jax, jax.numpy as jnp
import numpy as np

N = 10000
E = 320000
DIN = 128
HID = 64
HEADS = 2
DOUT = 64


def setup_inputs(seed: int = 0) -> dict:
    key = jax.random.key(seed)
    ks = jax.random.split(key, 12)
    x = jax.random.normal(ks[0], (N, DIN), dtype=jnp.float32)
    edge_index = jax.random.randint(ks[1], (2, E), 0, N, dtype=jnp.int32)
    W1 = jax.random.normal(ks[2], (DIN, HEADS * HID), dtype=jnp.float32) * (1.0 / np.sqrt(DIN))
    a_src1 = jax.random.normal(ks[3], (HEADS, HID), dtype=jnp.float32) * 0.1
    a_dst1 = jax.random.normal(ks[4], (HEADS, HID), dtype=jnp.float32) * 0.1
    b1 = jnp.zeros((HEADS * HID,), dtype=jnp.float32)
    W2 = jax.random.normal(ks[5], (HEADS * HID, DOUT), dtype=jnp.float32) * (1.0 / np.sqrt(HEADS * HID))
    a_src2 = jax.random.normal(ks[6], (1, DOUT), dtype=jnp.float32) * 0.1
    a_dst2 = jax.random.normal(ks[7], (1, DOUT), dtype=jnp.float32) * 0.1
    b2 = jnp.zeros((DOUT,), dtype=jnp.float32)
    return {"x": x, "edge_index": edge_index, "W1": W1, "a_src1": a_src1, "a_dst1": a_dst1,
            "b1": b1, "W2": W2, "a_src2": a_src2, "a_dst2": a_dst2, "b2": b2}


def gat_layer(x, src, dst, W, a_src, a_dst, b, heads, out_ch, concat):
    n = x.shape[0]
    h = (x @ W).reshape(n, heads, out_ch)
    alpha_src = jnp.sum(h * a_src[None, :, :], axis=-1)  # [N, H]
    alpha_dst = jnp.sum(h * a_dst[None, :, :], axis=-1)  # [N, H]
    e = alpha_src[src] + alpha_dst[dst]                  # [E, H]
    e = jax.nn.leaky_relu(e, negative_slope=0.2)
    e_max = jax.ops.segment_max(e, dst, num_segments=n)
    e_max = jnp.where(jnp.isfinite(e_max), e_max, 0.0)
    e_exp = jnp.exp(e - e_max[dst])
    denom = jax.ops.segment_sum(e_exp, dst, num_segments=n)
    alpha = e_exp / (denom[dst] + 1e-16)                 # [E, H]
    msg = h[src] * alpha[:, :, None]                     # [E, H, C]
    out = jax.ops.segment_sum(msg, dst, num_segments=n)  # [N, H, C]
    if concat:
        out = out.reshape(n, heads * out_ch)
    else:
        out = out.mean(axis=1)
    return out + b


def reference(x, edge_index, W1, a_src1, a_dst1, b1, W2, a_src2, a_dst2, b2):
    src = edge_index[0]
    dst = edge_index[1]
    h = gat_layer(x, src, dst, W1, a_src1, a_dst1, b1, HEADS, HID, True)
    h = jax.nn.relu(h)
    # dropout is identity in eval mode
    z = gat_layer(h, src, dst, W2, a_src2, a_dst2, b2, 1, DOUT, False)
    return z

if __name__ == "__main__":
    import jax
    _d = setup_inputs()
    print(jax.jit(kernel)(*tuple(_d.values())))

</pallas_src>

<mosaic_0001>
#map = affine_map<(d0, d1) -> (0, 0)>
#map1 = affine_map<(d0, d1) -> (0, 0, 0)>
module attributes {stable_mosaic.version = 14 : i64} {
  func.func @edge_phase(%arg0: i32, %arg1: i32, %arg2: memref<10000x80xf32, #tpu.memory_space<hbm>>, %arg3: memref<2x320000xi32, #tpu.memory_space<hbm>>, %arg4: memref<10000x16xf32, #tpu.memory_space<hbm>>, %arg5: memref<2x10000x80xf32, #tpu.memory_space<hbm>>, %arg6: memref<2x80xi32, #tpu.memory_space<vmem>>, %arg7: memref<2x80xi32, #tpu.memory_space<vmem>>, %arg8: memref<80x80xf32, #tpu.memory_space<vmem>>, %arg9: memref<80x80xf32, #tpu.memory_space<vmem>>, %arg10: memref<80x16xf32, #tpu.memory_space<vmem>>, %arg11: memref<80x16xf32, #tpu.memory_space<vmem>>, %arg12: memref<10000x80xf32, #tpu.memory_space<vmem_shared>>, %arg13: memref<!tpu.dma_semaphore, #tpu.memory_space<semaphore_mem>>, %arg14: memref<!tpu.dma_semaphore, #tpu.memory_space<semaphore_mem>>) attributes {dimension_semantics = [#tpu.dimension_semantics<core_parallel>, #tpu.dimension_semantics<subcore_parallel>], iteration_bounds = array<i64: 2, 16>, scalar_prefetch = 0 : i64, scratch_operands = 9 : i64, tpu.core_type = #tpu.core_type<sc_vector_subcore>, window_params = [{transform_indices = #map}, {transform_indices = #map}, {transform_indices = #map}, {transform_indices = #map1}]} {
    %mul3A = arith.constant 2 : i32
    %mul3A_0 = arith.muli %arg1, %mul3A : i32
    %add3A = arith.addi %mul3A_0, %arg0 : i32
    %iota3A = tpu.iota {dimensions = array<i32: 0>} : vector<16xi32>
    %scan3A = arith.constant 0 : i32
    %scan3A_1 = arith.constant 80 : i32
    %scan3A_2 = arith.addi %scan3A, %scan3A_1 : i32
    %scan3A_3 = arith.constant 1 : i32
    scf.for %scan3A_30 = %scan3A to %scan3A_2 step %scan3A_3  : i32 {
      %mul3A_31 = arith.constant 1 : i32
      %mul3A_32 = arith.muli %scan3A_30, %mul3A_31 : i32
      %add3A_33 = arith.constant 0 : i32
      %add3A_34 = arith.addi %add3A_33, %mul3A_32 : i32
      %scan3A_35 = arith.constant 0 : i32
      %scan3A_36 = arith.constant 5 : i32
      %scan3A_37 = arith.addi %scan3A_35, %scan3A_36 : i32
      %scan3A_38 = arith.constant 1 : i32
      scf.for %scan3A_40 = %scan3A_35 to %scan3A_37 step %scan3A_38  : i32 {
        %mul3A_41 = arith.constant 16 : i32
        %mul3A_42 = arith.muli %scan3A_40, %mul3A_41 : i32
        %add3A_43 = arith.constant 0 : i32
        %add3A_44 = arith.addi %add3A_43, %mul3A_42 : i32
        %broadcast_in_dim3A = arith.constant 0.000000e+00 : f32
        %broadcast_in_dim3A_45 = vector.broadcast %broadcast_in_dim3A : f32 to vector<16xf32>
        %swap3A = arith.index_cast %add3A_34 : i32 to index
        %swap3A_46 = arith.index_cast %add3A_44 : i32 to index
        %swap3A_47 = tpu.vector_load %arg8[%swap3A, %swap3A_46] {strides = array<i32>} : memref<80x80xf32, #tpu.memory_space<vmem>>, vector<1x16xf32>,
        %swap3A_48 = vector.shape_cast %swap3A_47 : vector<1x16xf32> to vector<16xf32>
        %swap3A_49 = vector.shape_cast %broadcast_in_dim3A_45 : vector<16xf32> to vector<1x16xf32>
        tpu.vector_store %arg8[%swap3A, %swap3A_46], %swap3A_49 {strides = array<i32>} : memref<80x80xf32, #tpu.memory_space<vmem>>, vector<1x16xf32>,
      }
      %scan3A_39 = arith.constant 5 : i32
    }
    %scan3A_4 = arith.constant 80 : i32
    %scan3A_5 = arith.constant 0 : i32
    %scan3A_6 = arith.constant 25 : i32
    %scan3A_7 = arith.addi %scan3A_5, %scan3A_6 : i32
    %scan3A_8 = arith.constant 1 : i32
    scf.for %scan3A_30 = %scan3A_5 to %scan3A_7 step %scan3A_8  : i32 {
      %mul3A_31 = arith.constant 1 : i32
      %mul3A_32 = arith.muli %scan3A_30, %mul3A_31 : i32
      %add3A_33 = arith.constant 0 : i32
      %add3A_34 = arith.addi %add3A_33, %mul3A_32 : i32
      %mul3A_35 = arith.constant 625 : i32
      %mul3A_36 = arith.muli %arg1, %mul3A_35 : i32
      %mul3A_37 = arith.constant 25 : i32
      %mul3A_38 = arith.muli %add3A_34, %mul3A_37 : i32
      %add3A_39 = arith.addi %mul3A_36, %mul3A_38 : i32
      "tpu.region"() ({
        %run_scoped3A = tpu.sem_alloc : memref<!tpu.dma_semaphore, #tpu.memory_space<semaphore_mem>>
        %dma_start3A = arith.constant 0 : i32
        %dma_start3A_40 = arith.constant 0 : i32
        %dma_start3A_41 = tpu.memref_slice %arg8[%dma_start3A, %dma_start3A_40] : memref<80x80xf32, #tpu.memory_space<vmem>> -> memref<25x80xf32, #tpu.memory_space<vmem>>
        %dma_start3A_42 = arith.constant 0 : i32
        %dma_start3A_43 = tpu.memref_slice %arg12[%add3A_39, %dma_start3A_42] : memref<10000x80xf32, #tpu.memory_space<vmem_shared>> -> memref<25x80xf32, #tpu.memory_space<vmem_shared>>
        %dma_start3A_44 = arith.constant 0 : i32
        %dma_start3A_45 = tpu.memref_slice %arg12[%add3A_39, %dma_start3A_44] : memref<10000x80xf32, #tpu.memory_space<vmem_shared>> -> memref<25x80xf32, #tpu.memory_space<vmem_shared>>
        %dma_start3A_46 = arith.constant 0 : i32
        %dma_start3A_47 = arith.constant 0 : i32
        %dma_start3A_48 = tpu.memref_slice %arg8[%dma_start3A_46, %dma_start3A_47] : memref<80x80xf32, #tpu.memory_space<vmem>> -> memref<25x80xf32, #tpu.memory_space<vmem>>
        tpu.enqueue_dma source(%dma_start3A_48 : memref<25x80xf32, #tpu.memory_space<vmem>>) target(%dma_start3A_45 : memref<25x80xf32, #tpu.memory_space<vmem_shared>>) target_semaphore(%run_scoped3A : memref<!tpu.dma_semaphore, #tpu.memory_space<semaphore_mem>>)
        %dma_wait3A = arith.constant 0 : i32
        %dma_wait3A_49 = arith.constant 0 : i32
        %dma_wait3A_50 = tpu.memref_slice %arg8[%dma_wait3A, %dma_wait3A_49] : memref<80x80xf32, #tpu.memory_space<vmem>> -> memref<25x80xf32, #tpu.memory_space<vmem>>
        %dma_wait3A_51 = arith.constant 0 : i32
        %dma_wait3A_52 = tpu.memref_slice %arg12[%add3A_39, %dma_wait3A_51] : memref<10000x80xf32, #tpu.memory_space<vmem_shared>> -> memref<25x80xf32, #tpu.memory_space<vmem_shared>>
        %dma_wait3A_53 = arith.constant 0 : i32
        %dma_wait3A_54 = tpu.memref_slice %arg12[%add3A_39, %dma_wait3A_53] : memref<10000x80xf32, #tpu.memory_space<vmem_shared>> -> memref<25x80xf32, #tpu.memory_space<vmem_shared>>
        %dma_wait3A_55 = arith.constant 0 : i32
        %dma_wait3A_56 = arith.constant 0 : i32
        %dma_wait3A_57 = tpu.memref_slice %arg8[%dma_wait3A_55, %dma_wait3A_56] : memref<80x80xf32, #tpu.memory_space<vmem>> -> memref<25x80xf32, #tpu.memory_space<vmem>>
        tpu.wait_dma2 semaphore(%run_scoped3A : memref<!tpu.dma_semaphore, #tpu.memory_space<semaphore_mem>>) src(%dma_wait3A_57 : memref<25x80xf32, #tpu.memory_space<vmem>>) dst(%dma_wait3A_54 : memref<25x80xf32, #tpu.memory_space<vmem_shared>>)
        tpu.yield
      }) : () -> ()
    }
    %scan3A_9 = arith.constant 25 : i32
    %barrier3A = arith.constant 0 : index
    tpu.barrier barrier_id(%barrier3A)
    %add3A_10 = arith.constant 1 : i32
    %add3A_11 = vector.broadcast %add3A_10 : i32 to vector<16xi32>
    %add3A_12 = arith.addi %iota3A, %add3A_11 : vector<16xi32>
    %min3A = arith.constant 15 : i32
    %min3A_13 = vector.broadcast %min3A : i32 to vector<16xi32>
    %min3A_14 = arith.minsi %add3A_12, %min3A_13 : vector<16xi32>
    %lt3A = arith.constant 1 : i32
    %lt3A_15 = vector.broadcast %lt3A : i32 to vector<16xi32>
    %lt3A_16 = arith.cmpi slt, %iota3A, %lt3A_15 : vector<16xi32>
    %lt3A_17 = arith.constant 4000 : i32
    %lt3A_18 = arith.cmpi slt, %add3A, %lt3A_17 : i32
    %convert_element_type3A = arith.extui %lt3A_18 : i1 to i32
    %cond3A = arith.constant 0 : i32
    %cond3A_19 = arith.cmpi ne, %convert_element_type3A, %cond3A : i32
    scf.if %cond3A_19 {
      %mul3A_30 = arith.constant 80 : i32
      %mul3A_31 = arith.muli %add3A, %mul3A_30 : i32
      "tpu.region"() ({
        %run_scoped3A = tpu.sem_alloc : memref<!tpu.dma_semaphore, #tpu.memory_space<semaphore_mem>>
        %dma_start3A_45 = arith.constant 0 : i32
        %dma_start3A_46 = tpu.memref_slice %arg3[%dma_start3A_45, %mul3A_31] : memref<2x320000xi32, #tpu.memory_space<hbm>> -> memref<2x80xi32, #tpu.memory_space<hbm>>
        %dma_start3A_47 = arith.constant 0 : i32
        %dma_start3A_48 = tpu.memref_slice %arg3[%dma_start3A_47, %mul3A_31] : memref<2x320000xi32, #tpu.memory_space<hbm>> -> memref<2x80xi32, #tpu.memory_space<hbm>>
        tpu.enqueue_dma source(%dma_start3A_48 : memref<2x80xi32, #tpu.memory_space<hbm>>) target(%arg6 : memref<2x80xi32, #tpu.memory_space<vmem>>) target_semaphore(%run_scoped3A : memref<!tpu.dma_semaphore, #tpu.memory_space<semaphore_mem>>)
        %dma_wait3A = arith.constant 0 : i32
        %dma_wait3A_49 = tpu.memref_slice %arg3[%dma_wait3A, %mul3A_31] : memref<2x320000xi32, #tpu.memory_space<hbm>> -> memref<2x80xi32, #tpu.memory_space<hbm>>
        %dma_wait3A_50 = arith.constant 0 : i32
        %dma_wait3A_51 = tpu.memref_slice %arg3[%dma_wait3A_50, %mul3A_31] : memref<2x320000xi32, #tpu.memory_space<hbm>> -> memref<2x80xi32, #tpu.memory_space<hbm>>
        tpu.wait_dma2 semaphore(%run_scoped3A : memref<!tpu.dma_semaphore, #tpu.memory_space<semaphore_mem>>) src(%dma_wait3A_51 : memref<2x80xi32, #tpu.memory_space<hbm>>) dst(%arg6 : memref<2x80xi32, #tpu.memory_space<vmem>>)
        tpu.yield
      }) : () -> ()
      %dma_start3A = arith.constant 0 : i32
      %dma_start3A_32 = arith.constant 0 : i32
      %dma_start3A_33 = tpu.memref_slice %arg6[%dma_start3A, %dma_start3A_32] : memref<2x80xi32, #tpu.memory_space<vmem>> -> memref<1x80xi32, #tpu.memory_space<vmem>>
      %dma_start3A_34 = tpu.memref_squeeze %dma_start3A_33 : memref<1x80xi32, #tpu.memory_space<vmem>> -> memref<80xi32, #tpu.memory_space<vmem>>
      %dma_start3A_35 = arith.constant 0 : i32
      %dma_start3A_36 = arith.constant 0 : i32
      %dma_start3A_37 = tpu.memref_slice %arg2[%dma_start3A_35, %dma_start3A_36] : memref<10000x80xf32, #tpu.memory_space<hbm>> -> memref<10000x80xf32, #tpu.memory_space<hbm>>
      tpu.enqueue_indirect_dma source(%dma_start3A_37 : memref<10000x80xf32, #tpu.memory_space<hbm>>) target(%arg8 : memref<80x80xf32, #tpu.memory_space<vmem>>) offsets(%dma_start3A_34 : memref<80xi32, #tpu.memory_space<vmem>>) semaphore(%arg13 : memref<!tpu.dma_semaphore, #tpu.memory_space<semaphore_mem>>)
      %dma_start3A_38 = arith.constant 1 : i32
      %dma_start3A_39 = arith.constant 0 : i32
      %dma_start3A_40 = tpu.memref_slice %arg6[%dma_start3A_38, %dma_start3A_39] : memref<2x80xi32, #tpu.memory_space<vmem>> -> memref<1x80xi32, #tpu.memory_space<vmem>>
      %dma_start3A_41 = tpu.memref_squeeze %dma_start3A_40 : memref<1x80xi32, #tpu.memory_space<vmem>> -> memref<80xi32, #tpu.memory_space<vmem>>
      %dma_start3A_42 = arith.constant 0 : i32
      %dma_start3A_43 = arith.constant 0 : i32
      %dma_start3A_44 = tpu.memref_slice %arg4[%dma_start3A_42, %dma_start3A_43] : memref<10000x16xf32, #tpu.memory_space<hbm>> -> memref<10000x16xf32, #tpu.memory_space<hbm>>
      tpu.enqueue_indirect_dma source(%dma_start3A_44 : memref<10000x16xf32, #tpu.memory_space<hbm>>) target(%arg10 : memref<80x16xf32, #tpu.memory_space<vmem>>) offsets(%dma_start3A_41 : memref<80xi32, #tpu.memory_space<vmem>>) semaphore(%arg13 : memref<!tpu.dma_semaphore, #tpu.memory_space<semaphore_mem>>)
    } else {
    }
    %scan3A_20 = arith.constant 0 : i32
    %scan3A_21 = arith.constant 63 : i32
    %scan3A_22 = arith.addi %scan3A_20, %scan3A_21 : i32
    %scan3A_23 = arith.constant 1 : i32
    scf.for %scan3A_30 = %scan3A_20 to %scan3A_22 step %scan3A_23  : i32 {
      %mul3A_31 = arith.constant 1 : i32
      %mul3A_32 = arith.muli %scan3A_30, %mul3A_31 : i32
      %add3A_33 = arith.constant 0 : i32
      %add3A_34 = arith.addi %add3A_33, %mul3A_32 : i32
      %mul3A_35 = arith.constant 2 : i32
      %mul3A_36 = arith.muli %mul3A_35, %add3A_34 : i32
      %mul3A_37 = arith.constant 32 : i32
      %mul3A_38 = arith.muli %mul3A_36, %mul3A_37 : i32
      %add3A_39 = arith.addi %add3A, %mul3A_38 : i32
      %add3A_40 = arith.constant 32 : i32
      %add3A_41 = arith.addi %add3A_39, %add3A_40 : i32
      %add3A_42 = arith.constant 32 : i32
      %add3A_43 = arith.addi %add3A_41, %add3A_42 : i32
      %lt3A_44 = arith.constant 4000 : i32
      %lt3A_45 = arith.cmpi slt, %add3A_41, %lt3A_44 : i32
      %convert_element_type3A_46 = arith.extui %lt3A_45 : i1 to i32
      %cond3A_47 = arith.constant 0 : i32
      %cond3A_48 = arith.cmpi ne, %convert_element_type3A_46, %cond3A_47 : i32
      scf.if %cond3A_48 {
        %mul3A_64 = arith.constant 80 : i32
        %mul3A_65 = arith.muli %add3A_41, %mul3A_64 : i32
        "tpu.region"() ({
          %run_scoped3A = tpu.sem_alloc : memref<!tpu.dma_semaphore, #tpu.memory_space<semaphore_mem>>
          %dma_start3A_79 = arith.constant 0 : i32
          %dma_start3A_80 = tpu.memref_slice %arg3[%dma_start3A_79, %mul3A_65] : memref<2x320000xi32, #tpu.memory_space<hbm>> -> memref<2x80xi32, #tpu.memory_space<hbm>>
          %dma_start3A_81 = arith.constant 0 : i32
          %dma_start3A_82 = tpu.memref_slice %arg3[%dma_start3A_81, %mul3A_65] : memref<2x320000xi32, #tpu.memory_space<hbm>> -> memref<2x80xi32, #tpu.memory_space<hbm>>
          tpu.enqueue_dma source(%dma_start3A_82 : memref<2x80xi32, #tpu.memory_space<hbm>>) target(%arg7 : memref<2x80xi32, #tpu.memory_space<vmem>>) target_semaphore(%run_scoped3A : memref<!tpu.dma_semaphore, #tpu.memory_space<semaphore_mem>>)
          %dma_wait3A = arith.constant 0 : i32
          %dma_wait3A_83 = tpu.memref_slice %arg3[%dma_wait3A, %mul3A_65] : memref<2x320000xi32, #tpu.memory_space<hbm>> -> memref<2x80xi32, #tpu.memory_space<hbm>>
          %dma_wait3A_84 = arith.constant 0 : i32
          %dma_wait3A_85 = tpu.memref_slice %arg3[%dma_wait3A_84, %mul3A_65] : memref<2x320000xi32, #tpu.memory_space<hbm>> -> memref<2x80xi32, #tpu.memory_space<hbm>>
          tpu.wait_dma2 semaphore(%run_scoped3A : memref<!tpu.dma_semaphore, #tpu.memory_space<semaphore_mem>>) src(%dma_wait3A_85 : memref<2x80xi32, #tpu.memory_space<hbm>>) dst(%arg7 : memref<2x80xi32, #tpu.memory_space<vmem>>)
          tpu.yield
        }) : () -> ()
        %dma_start3A = arith.constant 0 : i32
        %dma_start3A_66 = arith.constant 0 : i32
        %dma_start3A_67 = tpu.memref_slice %arg7[%dma_start3A, %dma_start3A_66] : memref<2x80xi32, #tpu.memory_space<vmem>> -> memref<1x80xi32, #tpu.memory_space<vmem>>
        %dma_start3A_68 = tpu.memref_squeeze %dma_start3A_67 : memref<1x80xi32, #tpu.memory_space<vmem>> -> memref<80xi32, #tpu.memory_space<vmem>>
        %dma_start3A_69 = arith.constant 0 : i32
        %dma_start3A_70 = arith.constant 0 : i32
        %dma_start3A_71 = tpu.memref_slice %arg2[%dma_start3A_69, %dma_start3A_70] : memref<10000x80xf32, #tpu.memory_space<hbm>> -> memref<10000x80xf32, #tpu.memory_space<hbm>>
        tpu.enqueue_indirect_dma source(%dma_start3A_71 : memref<10000x80xf32, #tpu.memory_space<hbm>>) target(%arg9 : memref<80x80xf32, #tpu.memory_space<vmem>>) offsets(%dma_start3A_68 : memref<80xi32, #tpu.memory_space<vmem>>) semaphore(%arg14 : memref<!tpu.dma_semaphore, #tpu.memory_space<semaphore_mem>>)
        %dma_start3A_72 = arith.constant 1 : i32
        %dma_start3A_73 = arith.constant 0 : i32
        %dma_start3A_74 = tpu.memref_slice %arg7[%dma_start3A_72, %dma_start3A_73] : memref<2x80xi32, #tpu.memory_space<vmem>> -> memref<1x80xi32, #tpu.memory_space<vmem>>
        %dma_start3A_75 = tpu.memref_squeeze %dma_start3A_74 : memref<1x80xi32, #tpu.memory_space<vmem>> -> memref<80xi32, #tpu.memory_space<vmem>>
        %dma_start3A_76 = arith.constant 0 : i32
        %dma_start3A_77 = arith.constant 0 : i32
        %dma_start3A_78 = tpu.memref_slice %arg4[%dma_start3A_76, %dma_start3A_77] : memref<10000x16xf32, #tpu.memory_space<hbm>> -> memref<10000x16xf32, #tpu.memory_space<hbm>>
        tpu.enqueue_indirect_dma source(%dma_start3A_78 : memref<10000x16xf32, #tpu.memory_space<hbm>>) target(%arg11 : memref<80x16xf32, #tpu.memory_space<vmem>>) offsets(%dma_start3A_75 : memref<80xi32, #tpu.memory_space<vmem>>) semaphore(%arg14 : memref<!tpu.dma_semaphore, #tpu.memory_space<semaphore_mem>>)
      } else {
      }
      %lt3A_49 = arith.constant 4000 : i32
      %lt3A_50 = arith.cmpi slt, %add3A_39, %lt3A_49 : i32
      %convert_element_type3A_51 = arith.extui %lt3A_50 : i1 to i32
      %cond3A_52 = arith.constant 0 : i32
      %cond3A_53 = arith.cmpi ne, %convert_element_type3A_51, %cond3A_52 : i32
      scf.if %cond3A_53 {
        %dma_wait3A = arith.constant 0 : i32
        %dma_wait3A_64 = arith.constant 0 : i32
        %dma_wait3A_65 = tpu.memref_slice %arg6[%dma_wait3A, %dma_wait3A_64] : memref<2x80xi32, #tpu.memory_space<vmem>> -> memref<1x80xi32, #tpu.memory_space<vmem>>
        %dma_wait3A_66 = tpu.memref_squeeze %dma_wait3A_65 : memref<1x80xi32, #tpu.memory_space<vmem>> -> memref<80xi32, #tpu.memory_space<vmem>>
        %dma_wait3A_67 = arith.constant 0 : i32
        %dma_wait3A_68 = arith.constant 0 : i32
        %dma_wait3A_69 = tpu.memref_slice %arg2[%dma_wait3A_67, %dma_wait3A_68] : memref<10000x80xf32, #tpu.memory_space<hbm>> -> memref<10000x80xf32, #tpu.memory_space<hbm>>
        tpu.wait_indirect_dma semaphore(%arg13 : memref<!tpu.dma_semaphore, #tpu.memory_space<semaphore_mem>>) src(%dma_wait3A_69 : memref<10000x80xf32, #tpu.memory_space<hbm>>) dst(%arg8 : memref<80x80xf32, #tpu.memory_space<vmem>>)
        %dma_wait3A_70 = arith.constant 1 : i32
        %dma_wait3A_71 = arith.constant 0 : i32
        %dma_wait3A_72 = tpu.memref_slice %arg6[%dma_wait3A_70, %dma_wait3A_71] : memref<2x80xi32, #tpu.memory_space<vmem>> -> memref<1x80xi32, #tpu.memory_space<vmem>>
        %dma_wait3A_73 = tpu.memref_squeeze %dma_wait3A_72 : memref<1x80xi32, #tpu.memory_space<vmem>> -> memref<80xi32, #tpu.memory_space<vmem>>
        %dma_wait3A_74 = arith.constant 0 : i32
        %dma_wait3A_75 = arith.constant 0 : i32
        %dma_wait3A_76 = tpu.memref_slice %arg4[%dma_wait3A_74, %dma_wait3A_75] : memref<10000x16xf32, #tpu.memory_space<hbm>> -> memref<10000x16xf32, #tpu.memory_space<hbm>>
        tpu.wait_indirect_dma semaphore(%arg13 : memref<!tpu.dma_semaphore, #tpu.memory_space<semaphore_mem>>) src(%dma_wait3A_76 : memref<10000x16xf32, #tpu.memory_space<hbm>>) dst(%arg10 : memref<80x16xf32, #tpu.memory_space<vmem>>)
        %scan3A_77 = arith.constant 0 : i32
        %scan3A_78 = arith.constant 80 : i32
        %scan3A_79 = arith.addi %scan3A_77, %scan3A_78 : i32
        %scan3A_80 = arith.constant 1 : i32
        scf.for %scan3A_82 = %scan3A_77 to %scan3A_79 step %scan3A_80  : i32 {
          %mul3A_83 = arith.constant 1 : i32
          %mul3A_84 = arith.muli %scan3A_82, %mul3A_83 : i32
          %add3A_85 = arith.constant 0 : i32
          %add3A_86 = arith.addi %add3A_85, %mul3A_84 : i32
          %get3A = arith.index_cast %add3A_86 : i32 to index
          %get3A_87 = arith.constant 64 : index
          %get3A_88 = tpu.vector_load %arg8[%get3A, %get3A_87] {strides = array<i32>} : memref<80x80xf32, #tpu.memory_space<vmem>>, vector<1x16xf32>,
          %get3A_89 = vector.shape_cast %get3A_88 : vector<1x16xf32> to vector<16xf32>
          %get3A_90 = arith.index_cast %add3A_86 : i32 to index
          %get3A_91 = arith.constant 0 : index
          %get3A_92 = tpu.vector_load %arg10[%get3A_90, %get3A_91] {strides = array<i32>} : memref<80x16xf32, #tpu.memory_space<vmem>>, vector<1x16xf32>,
          %get3A_93 = vector.shape_cast %get3A_92 : vector<1x16xf32> to vector<16xf32>
          %broadcast_in_dim3A = vector.shape_cast %min3A_14 : vector<16xi32> to vector<16x1xi32>
          %gather3A = vector.shape_cast %broadcast_in_dim3A : vector<16x1xi32> to vector<16xi32>
          %gather3A_94 = tpu.dynamic_gather %get3A_93[%gather3A] in [0] : vector<16xf32>, vector<16xi32> -> vector<16xf32>
          %add3A_95 = arith.addf %get3A_89, %gather3A_94 : vector<16xf32>
          %mul3A_96 = arith.constant 2.000000e-01 : f32
          %mul3A_97 = vector.broadcast %mul3A_96 : f32 to vector<16xf32>
          %mul3A_98 = arith.mulf %mul3A_97, %add3A_95 : vector<16xf32>
          %max3A = arith.maximumf %add3A_95, %mul3A_98 : vector<16xf32>
          %exp3A = math.exp %max3A : vector<16xf32>
          %broadcast_in_dim3A_99 = arith.constant 0 : i32
          %broadcast_in_dim3A_100 = vector.broadcast %broadcast_in_dim3A_99 : i32 to vector<16xi32>
          %broadcast_in_dim3A_101 = vector.shape_cast %broadcast_in_dim3A_100 : vector<16xi32> to vector<16x1xi32>
          %gather3A_102 = vector.shape_cast %broadcast_in_dim3A_101 : vector<16x1xi32> to vector<16xi32>
          %gather3A_103 = tpu.dynamic_gather %exp3A[%gather3A_102] in [0] : vector<16xf32>, vector<16xi32> -> vector<16xf32>
          %get3A_104 = arith.index_cast %add3A_86 : i32 to index
          %get3A_105 = arith.constant 0 : index
          %get3A_106 = tpu.vector_load %arg8[%get3A_104, %get3A_105] {strides = array<i32>} : memref<80x80xf32, #tpu.memory_space<vmem>>, vector<1x16xf32>,
          %get3A_107 = vector.shape_cast %get3A_106 : vector<1x16xf32> to vector<16xf32>
          %mul3A_108 = arith.mulf %get3A_107, %gather3A_103 : vector<16xf32>
          %swap3A = arith.index_cast %add3A_86 : i32 to index
          %swap3A_109 = arith.constant 0 : index
          %swap3A_110 = tpu.vector_load %arg8[%swap3A, %swap3A_109] {strides = array<i32>} : memref<80x80xf32, #tpu.memory_space<vmem>>, vector<1x16xf32>,
          %swap3A_111 = vector.shape_cast %swap3A_110 : vector<1x16xf32> to vector<16xf32>
          %swap3A_112 = vector.shape_cast %mul3A_108 : vector<16xf32> to vector<1x16xf32>
          tpu.vector_store %arg8[%swap3A, %swap3A_109], %swap3A_112 {strides = array<i32>} : memref<80x80xf32, #tpu.memory_space<vmem>>, vector<1x16xf32>,
          %get3A_113 = arith.index_cast %add3A_86 : i32 to index
          %get3A_114 = arith.constant 16 : index
          %get3A_115 = tpu.vector_load %arg8[%get3A_113, %get3A_114] {strides = array<i32>} : memref<80x80xf32, #tpu.memory_space<vmem>>, vector<1x16xf32>,
          %get3A_116 = vector.shape_cast %get3A_115 : vector<1x16xf32> to vector<16xf32>
          %mul3A_117 = arith.mulf %get3A_116, %gather3A_103 : vector<16xf32>
          %swap3A_118 = arith.index_cast %add3A_86 : i32 to index
          %swap3A_119 = arith.constant 16 : index
          %swap3A_120 = tpu.vector_load %arg8[%swap3A_118, %swap3A_119] {strides = array<i32>} : memref<80x80xf32, #tpu.memory_space<vmem>>, vector<1x16xf32>,
          %swap3A_121 = vector.shape_cast %swap3A_120 : vector<1x16xf32> to vector<16xf32>
          %swap3A_122 = vector.shape_cast %mul3A_117 : vector<16xf32> to vector<1x16xf32>
          tpu.vector_store %arg8[%swap3A_118, %swap3A_119], %swap3A_122 {strides = array<i32>} : memref<80x80xf32, #tpu.memory_space<vmem>>, vector<1x16xf32>,
          %get3A_123 = arith.index_cast %add3A_86 : i32 to index
          %get3A_124 = arith.constant 32 : index
          %get3A_125 = tpu.vector_load %arg8[%get3A_123, %get3A_124] {strides = array<i32>} : memref<80x80xf32, #tpu.memory_space<vmem>>, vector<1x16xf32>,
          %get3A_126 = vector.shape_cast %get3A_125 : vector<1x16xf32> to vector<16xf32>
          %mul3A_127 = arith.mulf %get3A_126, %gather3A_103 : vector<16xf32>
          %swap3A_128 = arith.index_cast %add3A_86 : i32 to index
          %swap3A_129 = arith.constant 32 : index
          %swap3A_130 = tpu.vector_load %arg8[%swap3A_128, %swap3A_129] {strides = array<i32>} : memref<80x80xf32, #tpu.memory_space<vmem>>, vector<1x16xf32>,
          %swap3A_131 = vector.shape_cast %swap3A_130 : vector<1x16xf32> to vector<16xf32>
          %swap3A_132 = vector.shape_cast %mul3A_127 : vector<16xf32> to vector<1x16xf32>
          tpu.vector_store %arg8[%swap3A_128, %swap3A_129], %swap3A_132 {strides = array<i32>} : memref<80x80xf32, #tpu.memory_space<vmem>>, vector<1x16xf32>,
          %get3A_133 = arith.index_cast %add3A_86 : i32 to index
          %get3A_134 = arith.constant 48 : index
          %get3A_135 = tpu.vector_load %arg8[%get3A_133, %get3A_134] {strides = array<i32>} : memref<80x80xf32, #tpu.memory_space<vmem>>, vector<1x16xf32>,
          %get3A_136 = vector.shape_cast %get3A_135 : vector<1x16xf32> to vector<16xf32>
          %mul3A_137 = arith.mulf %get3A_136, %gather3A_103 : vector<16xf32>
          %swap3A_138 = arith.index_cast %add3A_86 : i32 to index
          %swap3A_139 = arith.constant 48 : index
          %swap3A_140 = tpu.vector_load %arg8[%swap3A_138, %swap3A_139] {strides = array<i32>} : memref<80x80xf32, #tpu.memory_space<vmem>>, vector<1x16xf32>,
          %swap3A_141 = vector.shape_cast %swap3A_140 : vector<1x16xf32> to vector<16xf32>
          %swap3A_142 = vector.shape_cast %mul3A_137 : vector<16xf32> to vector<1x16xf32>
          tpu.vector_store %arg8[%swap3A_138, %swap3A_139], %swap3A_142 {strides = array<i32>} : memref<80x80xf32, #tpu.memory_space<vmem>>, vector<1x16xf32>,
          %jit3A = arith.constant 0.000000e+00 : f32
          %broadcast_in_dim3A_143 = vector.broadcast %jit3A : f32 to vector<16xf32>
          %select_n3A = arith.select %lt3A_16, %exp3A, %broadcast_in_dim3A_143 : vector<16xi1>, vector<16xf32>
          %swap3A_144 = arith.index_cast %add3A_86 : i32 to index
          %swap3A_145 = arith.constant 64 : index
          %swap3A_146 = tpu.vector_load %arg8[%swap3A_144, %swap3A_145] {strides = array<i32>} : memref<80x80xf32, #tpu.memory_space<vmem>>, vector<1x16xf32>,
          %swap3A_147 = vector.shape_cast %swap3A_146 : vector<1x16xf32> to vector<16xf32>
          %swap3A_148 = vector.shape_cast %select_n3A : vector<16xf32> to vector<1x16xf32>
          tpu.vector_store %arg8[%swap3A_144, %swap3A_145], %swap3A_148 {strides = array<i32>} : memref<80x80xf32, #tpu.memory_space<vmem>>, vector<1x16xf32>,
        }
        %scan3A_81 = arith.constant 80 : i32
        %run_scoped3A = arith.constant 1 : i32
        "tpu.region"() ({
          %run_scoped3A_82 = tpu.sem_alloc : memref<!tpu.dma_semaphore, #tpu.memory_space<semaphore_mem>>
          %dma_start3A = arith.constant 0 : i32
          %dma_start3A_83 = tpu.memref_slice %arg6[%run_scoped3A, %dma_start3A] : memref<2x80xi32, #tpu.memory_space<vmem>> -> memref<1x80xi32, #tpu.memory_space<vmem>>
          %dma_start3A_84 = tpu.memref_squeeze %dma_start3A_83 : memref<1x80xi32, #tpu.memory_space<vmem>> -> memref<80xi32, #tpu.memory_space<vmem>>
          %dma_start3A_85 = arith.constant 0 : i32
          %dma_start3A_86 = arith.constant 0 : i32
          %dma_start3A_87 = tpu.memref_slice %arg12[%dma_start3A_85, %dma_start3A_86] : memref<10000x80xf32, #tpu.memory_space<vmem_shared>> -> memref<10000x80xf32, #tpu.memory_space<vmem_shared>>
          tpu.enqueue_indirect_dma source(%arg8 : memref<80x80xf32, #tpu.memory_space<vmem>>) target(%dma_start3A_87 : memref<10000x80xf32, #tpu.memory_space<vmem_shared>>) offsets(%dma_start3A_84 : memref<80xi32, #tpu.memory_space<vmem>>) semaphore(%run_scoped3A_82 : memref<!tpu.dma_semaphore, #tpu.memory_space<semaphore_mem>>) {add = true}
          %dma_wait3A_88 = arith.constant 0 : i32
          %dma_wait3A_89 = tpu.memref_slice %arg6[%run_scoped3A, %dma_wait3A_88] : memref<2x80xi32, #tpu.memory_space<vmem>> -> memref<1x80xi32, #tpu.memory_space<vmem>>
          %dma_wait3A_90 = tpu.memref_squeeze %dma_wait3A_89 : memref<1x80xi32, #tpu.memory_space<vmem>> -> memref<80xi32, #tpu.memory_space<vmem>>
          %dma_wait3A_91 = arith.constant 0 : i32
          %dma_wait3A_92 = arith.constant 0 : i32
          %dma_wait3A_93 = tpu.memref_slice %arg12[%dma_wait3A_91, %dma_wait3A_92] : memref<10000x80xf32, #tpu.memory_space<vmem_shared>> -> memref<10000x80xf32, #tpu.memory_space<vmem_shared>>
          tpu.wait_indirect_dma semaphore(%run_scoped3A_82 : memref<!tpu.dma_semaphore, #tpu.memory_space<semaphore_mem>>) src(%arg8 : memref<80x80xf32, #tpu.memory_space<vmem>>) dst(%dma_wait3A_93 : memref<10000x80xf32, #tpu.memory_space<vmem_shared>>)
          tpu.yield
        }) : () -> ()
      } else {
      }
      %lt3A_54 = arith.constant 4000 : i32
      %lt3A_55 = arith.cmpi slt, %add3A_43, %lt3A_54 : i32
      %convert_element_type3A_56 = arith.extui %lt3A_55 : i1 to i32
      %cond3A_57 = arith.constant 0 : i32
      %cond3A_58 = arith.cmpi ne, %convert_element_type3A_56, %cond3A_57 : i32
      scf.if %cond3A_58 {
        %mul3A_64 = arith.constant 80 : i32
        %mul3A_65 = arith.muli %add3A_43, %mul3A_64 : i32
        "tpu.region"() ({
          %run_scoped3A = tpu.sem_alloc : memref<!tpu.dma_semaphore, #tpu.memory_space<semaphore_mem>>
          %dma_start3A_79 = arith.constant 0 : i32
          %dma_start3A_80 = tpu.memref_slice %arg3[%dma_start3A_79, %mul3A_65] : memref<2x320000xi32, #tpu.memory_space<hbm>> -> memref<2x80xi32, #tpu.memory_space<hbm>>
          %dma_start3A_81 = arith.constant 0 : i32
          %dma_start3A_82 = tpu.memref_slice %arg3[%dma_start3A_81, %mul3A_65] : memref<2x320000xi32, #tpu.memory_space<hbm>> -> memref<2x80xi32, #tpu.memory_space<hbm>>
          tpu.enqueue_dma source(%dma_start3A_82 : memref<2x80xi32, #tpu.memory_space<hbm>>) target(%arg6 : memref<2x80xi32, #tpu.memory_space<vmem>>) target_semaphore(%run_scoped3A : memref<!tpu.dma_semaphore, #tpu.memory_space<semaphore_mem>>)
          %dma_wait3A = arith.constant 0 : i32
          %dma_wait3A_83 = tpu.memref_slice %arg3[%dma_wait3A, %mul3A_65] : memref<2x320000xi32, #tpu.memory_space<hbm>> -> memref<2x80xi32, #tpu.memory_space<hbm>>
          %dma_wait3A_84 = arith.constant 0 : i32
          %dma_wait3A_85 = tpu.memref_slice %arg3[%dma_wait3A_84, %mul3A_65] : memref<2x320000xi32, #tpu.memory_space<hbm>> -> memref<2x80xi32, #tpu.memory_space<hbm>>
          tpu.wait_dma2 semaphore(%run_scoped3A : memref<!tpu.dma_semaphore, #tpu.memory_space<semaphore_mem>>) src(%dma_wait3A_85 : memref<2x80xi32, #tpu.memory_space<hbm>>) dst(%arg6 : memref<2x80xi32, #tpu.memory_space<vmem>>)
          tpu.yield
        }) : () -> ()
        %dma_start3A = arith.constant 0 : i32
        %dma_start3A_66 = arith.constant 0 : i32
        %dma_start3A_67 = tpu.memref_slice %arg6[%dma_start3A, %dma_start3A_66] : memref<2x80xi32, #tpu.memory_space<vmem>> -> memref<1x80xi32, #tpu.memory_space<vmem>>
        %dma_start3A_68 = tpu.memref_squeeze %dma_start3A_67 : memref<1x80xi32, #tpu.memory_space<vmem>> -> memref<80xi32, #tpu.memory_space<vmem>>
        %dma_start3A_69 = arith.constant 0 : i32
        %dma_start3A_70 = arith.constant 0 : i32
        %dma_start3A_71 = tpu.memref_slice %arg2[%dma_start3A_69, %dma_start3A_70] : memref<10000x80xf32, #tpu.memory_space<hbm>> -> memref<10000x80xf32, #tpu.memory_space<hbm>>
        tpu.enqueue_indirect_dma source(%dma_start3A_71 : memref<10000x80xf32, #tpu.memory_space<hbm>>) target(%arg8 : memref<80x80xf32, #tpu.memory_space<vmem>>) offsets(%dma_start3A_68 : memref<80xi32, #tpu.memory_space<vmem>>) semaphore(%arg13 : memref<!tpu.dma_semaphore, #tpu.memory_space<semaphore_mem>>)
        %dma_start3A_72 = arith.constant 1 : i32
        %dma_start3A_73 = arith.constant 0 : i32
        %dma_start3A_74 = tpu.memref_slice %arg6[%dma_start3A_72, %dma_start3A_73] : memref<2x80xi32, #tpu.memory_space<vmem>> -> memref<1x80xi32, #tpu.memory_space<vmem>>
        %dma_start3A_75 = tpu.memref_squeeze %dma_start3A_74 : memref<1x80xi32, #tpu.memory_space<vmem>> -> memref<80xi32, #tpu.memory_space<vmem>>
        %dma_start3A_76 = arith.constant 0 : i32
        %dma_start3A_77 = arith.constant 0 : i32
        %dma_start3A_78 = tpu.memref_slice %arg4[%dma_start3A_76, %dma_start3A_77] : memref<10000x16xf32, #tpu.memory_space<hbm>> -> memref<10000x16xf32, #tpu.memory_space<hbm>>
        tpu.enqueue_indirect_dma source(%dma_start3A_78 : memref<10000x16xf32, #tpu.memory_space<hbm>>) target(%arg10 : memref<80x16xf32, #tpu.memory_space<vmem>>) offsets(%dma_start3A_75 : memref<80xi32, #tpu.memory_space<vmem>>) semaphore(%arg13 : memref<!tpu.dma_semaphore, #tpu.memory_space<semaphore_mem>>)
      } else {
      }
      %lt3A_59 = arith.constant 4000 : i32
      %lt3A_60 = arith.cmpi slt, %add3A_41, %lt3A_59 : i32
      %convert_element_type3A_61 = arith.extui %lt3A_60 : i1 to i32
      %cond3A_62 = arith.constant 0 : i32
      %cond3A_63 = arith.cmpi ne, %convert_element_type3A_61, %cond3A_62 : i32
      scf.if %cond3A_63 {
        %dma_wait3A = arith.constant 0 : i32
        %dma_wait3A_64 = arith.constant 0 : i32
        %dma_wait3A_65 = tpu.memref_slice %arg7[%dma_wait3A, %dma_wait3A_64] : memref<2x80xi32, #tpu.memory_space<vmem>> -> memref<1x80xi32, #tpu.memory_space<vmem>>
        %dma_wait3A_66 = tpu.memref_squeeze %dma_wait3A_65 : memref<1x80xi32, #tpu.memory_space<vmem>> -> memref<80xi32, #tpu.memory_space<vmem>>
        %dma_wait3A_67 = arith.constant 0 : i32
        %dma_wait3A_68 = arith.constant 0 : i32
        %dma_wait3A_69 = tpu.memref_slice %arg2[%dma_wait3A_67, %dma_wait3A_68] : memref<10000x80xf32, #tpu.memory_space<hbm>> -> memref<10000x80xf32, #tpu.memory_space<hbm>>
        tpu.wait_indirect_dma semaphore(%arg14 : memref<!tpu.dma_semaphore, #tpu.memory_space<semaphore_mem>>) src(%dma_wait3A_69 : memref<10000x80xf32, #tpu.memory_space<hbm>>) dst(%arg9 : memref<80x80xf32, #tpu.memory_space<vmem>>)
        %dma_wait3A_70 = arith.constant 1 : i32
        %dma_wait3A_71 = arith.constant 0 : i32
        %dma_wait3A_72 = tpu.memref_slice %arg7[%dma_wait3A_70, %dma_wait3A_71] : memref<2x80xi32, #tpu.memory_space<vmem>> -> memref<1x80xi32, #tpu.memory_space<vmem>>
        %dma_wait3A_73 = tpu.memref_squeeze %dma_wait3A_72 : memref<1x80xi32, #tpu.memory_space<vmem>> -> memref<80xi32, #tpu.memory_space<vmem>>
        %dma_wait3A_74 = arith.constant 0 : i32
        %dma_wait3A_75 = arith.constant 0 : i32
        %dma_wait3A_76 = tpu.memref_slice %arg4[%dma_wait3A_74, %dma_wait3A_75] : memref<10000x16xf32, #tpu.memory_space<hbm>> -> memref<10000x16xf32, #tpu.memory_space<hbm>>
        tpu.wait_indirect_dma semaphore(%arg14 : memref<!tpu.dma_semaphore, #tpu.memory_space<semaphore_mem>>) src(%dma_wait3A_76 : memref<10000x16xf32, #tpu.memory_space<hbm>>) dst(%arg11 : memref<80x16xf32, #tpu.memory_space<vmem>>)
        %scan3A_77 = arith.constant 0 : i32
        %scan3A_78 = arith.constant 80 : i32
        %scan3A_79 = arith.addi %scan3A_77, %scan3A_78 : i32
        %scan3A_80 = arith.constant 1 : i32
        scf.for %scan3A_82 = %scan3A_77 to %scan3A_79 step %scan3A_80  : i32 {
          %mul3A_83 = arith.constant 1 : i32
          %mul3A_84 = arith.muli %scan3A_82, %mul3A_83 : i32
          %add3A_85 = arith.constant 0 : i32
          %add3A_86 = arith.addi %add3A_85, %mul3A_84 : i32
          %get3A = arith.index_cast %add3A_86 : i32 to index
          %get3A_87 = arith.constant 64 : index
          %get3A_88 = tpu.vector_load %arg9[%get3A, %get3A_87] {strides = array<i32>} : memref<80x80xf32, #tpu.memory_space<vmem>>, vector<1x16xf32>,
          %get3A_89 = vector.shape_cast %get3A_88 : vector<1x16xf32> to vector<16xf32>
          %get3A_90 = arith.index_cast %add3A_86 : i32 to index
          %get3A_91 = arith.constant 0 : index
          %get3A_92 = tpu.vector_load %arg11[%get3A_90, %get3A_91] {strides = array<i32>} : memref<80x16xf32, #tpu.memory_space<vmem>>, vector<1x16xf32>,
          %get3A_93 = vector.shape_cast %get3A_92 : vector<1x16xf32> to vector<16xf32>
          %broadcast_in_dim3A = vector.shape_cast %min3A_14 : vector<16xi32> to vector<16x1xi32>
          %gather3A = vector.shape_cast %broadcast_in_dim3A : vector<16x1xi32> to vector<16xi32>
          %gather3A_94 = tpu.dynamic_gather %get3A_93[%gather3A] in [0] : vector<16xf32>, vector<16xi32> -> vector<16xf32>
          %add3A_95 = arith.addf %get3A_89, %gather3A_94 : vector<16xf32>
          %mul3A_96 = arith.constant 2.000000e-01 : f32
          %mul3A_97 = vector.broadcast %mul3A_96 : f32 to vector<16xf32>
          %mul3A_98 = arith.mulf %mul3A_97, %add3A_95 : vector<16xf32>
          %max3A = arith.maximumf %add3A_95, %mul3A_98 : vector<16xf32>
          %exp3A = math.exp %max3A : vector<16xf32>
          %broadcast_in_dim3A_99 = arith.constant 0 : i32
          %broadcast_in_dim3A_100 = vector.broadcast %broadcast_in_dim3A_99 : i32 to vector<16xi32>
          %broadcast_in_dim3A_101 = vector.shape_cast %broadcast_in_dim3A_100 : vector<16xi32> to vector<16x1xi32>
          %gather3A_102 = vector.shape_cast %broadcast_in_dim3A_101 : vector<16x1xi32> to vector<16xi32>
          %gather3A_103 = tpu.dynamic_gather %exp3A[%gather3A_102] in [0] : vector<16xf32>, vector<16xi32> -> vector<16xf32>
          %get3A_104 = arith.index_cast %add3A_86 : i32 to index
          %get3A_105 = arith.constant 0 : index
          %get3A_106 = tpu.vector_load %arg9[%get3A_104, %get3A_105] {strides = array<i32>} : memref<80x80xf32, #tpu.memory_space<vmem>>, vector<1x16xf32>,
          %get3A_107 = vector.shape_cast %get3A_106 : vector<1x16xf32> to vector<16xf32>
          %mul3A_108 = arith.mulf %get3A_107, %gather3A_103 : vector<16xf32>
          %swap3A = arith.index_cast %add3A_86 : i32 to index
          %swap3A_109 = arith.constant 0 : index
          %swap3A_110 = tpu.vector_load %arg9[%swap3A, %swap3A_109] {strides = array<i32>} : memref<80x80xf32, #tpu.memory_space<vmem>>, vector<1x16xf32>,
          %swap3A_111 = vector.shape_cast %swap3A_110 : vector<1x16xf32> to vector<16xf32>
          %swap3A_112 = vector.shape_cast %mul3A_108 : vector<16xf32> to vector<1x16xf32>
          tpu.vector_store %arg9[%swap3A, %swap3A_109], %swap3A_112 {strides = array<i32>} : memref<80x80xf32, #tpu.memory_space<vmem>>, vector<1x16xf32>,
          %get3A_113 = arith.index_cast %add3A_86 : i32 to index
          %get3A_114 = arith.constant 16 : index
          %get3A_115 = tpu.vector_load %arg9[%get3A_113, %get3A_114] {strides = array<i32>} : memref<80x80xf32, #tpu.memory_space<vmem>>, vector<1x16xf32>,
          %get3A_116 = vector.shape_cast %get3A_115 : vector<1x16xf32> to vector<16xf32>
          %mul3A_117 = arith.mulf %get3A_116, %gather3A_103 : vector<16xf32>
          %swap3A_118 = arith.index_cast %add3A_86 : i32 to index
          %swap3A_119 = arith.constant 16 : index
          %swap3A_120 = tpu.vector_load %arg9[%swap3A_118, %swap3A_119] {strides = array<i32>} : memref<80x80xf32, #tpu.memory_space<vmem>>, vector<1x16xf32>,
          %swap3A_121 = vector.shape_cast %swap3A_120 : vector<1x16xf32> to vector<16xf32>
          %swap3A_122 = vector.shape_cast %mul3A_117 : vector<16xf32> to vector<1x16xf32>
          tpu.vector_store %arg9[%swap3A_118, %swap3A_119], %swap3A_122 {strides = array<i32>} : memref<80x80xf32, #tpu.memory_space<vmem>>, vector<1x16xf32>,
          %get3A_123 = arith.index_cast %add3A_86 : i32 to index
          %get3A_124 = arith.constant 32 : index
          %get3A_125 = tpu.vector_load %arg9[%get3A_123, %get3A_124] {strides = array<i32>} : memref<80x80xf32, #tpu.memory_space<vmem>>, vector<1x16xf32>,
          %get3A_126 = vector.shape_cast %get3A_125 : vector<1x16xf32> to vector<16xf32>
          %mul3A_127 = arith.mulf %get3A_126, %gather3A_103 : vector<16xf32>
          %swap3A_128 = arith.index_cast %add3A_86 : i32 to index
          %swap3A_129 = arith.constant 32 : index
          %swap3A_130 = tpu.vector_load %arg9[%swap3A_128, %swap3A_129] {strides = array<i32>} : memref<80x80xf32, #tpu.memory_space<vmem>>, vector<1x16xf32>,
          %swap3A_131 = vector.shape_cast %swap3A_130 : vector<1x16xf32> to vector<16xf32>
          %swap3A_132 = vector.shape_cast %mul3A_127 : vector<16xf32> to vector<1x16xf32>
          tpu.vector_store %arg9[%swap3A_128, %swap3A_129], %swap3A_132 {strides = array<i32>} : memref<80x80xf32, #tpu.memory_space<vmem>>, vector<1x16xf32>,
          %get3A_133 = arith.index_cast %add3A_86 : i32 to index
          %get3A_134 = arith.constant 48 : index
          %get3A_135 = tpu.vector_load %arg9[%get3A_133, %get3A_134] {strides = array<i32>} : memref<80x80xf32, #tpu.memory_space<vmem>>, vector<1x16xf32>,
          %get3A_136 = vector.shape_cast %get3A_135 : vector<1x16xf32> to vector<16xf32>
          %mul3A_137 = arith.mulf %get3A_136, %gather3A_103 : vector<16xf32>
          %swap3A_138 = arith.index_cast %add3A_86 : i32 to index
          %swap3A_139 = arith.constant 48 : index
          %swap3A_140 = tpu.vector_load %arg9[%swap3A_138, %swap3A_139] {strides = array<i32>} : memref<80x80xf32, #tpu.memory_space<vmem>>, vector<1x16xf32>,
          %swap3A_141 = vector.shape_cast %swap3A_140 : vector<1x16xf32> to vector<16xf32>
          %swap3A_142 = vector.shape_cast %mul3A_137 : vector<16xf32> to vector<1x16xf32>
          tpu.vector_store %arg9[%swap3A_138, %swap3A_139], %swap3A_142 {strides = array<i32>} : memref<80x80xf32, #tpu.memory_space<vmem>>, vector<1x16xf32>,
          %jit3A = arith.constant 0.000000e+00 : f32
          %broadcast_in_dim3A_143 = vector.broadcast %jit3A : f32 to vector<16xf32>
          %select_n3A = arith.select %lt3A_16, %exp3A, %broadcast_in_dim3A_143 : vector<16xi1>, vector<16xf32>
          %swap3A_144 = arith.index_cast %add3A_86 : i32 to index
          %swap3A_145 = arith.constant 64 : index
          %swap3A_146 = tpu.vector_load %arg9[%swap3A_144, %swap3A_145] {strides = array<i32>} : memref<80x80xf32, #tpu.memory_space<vmem>>, vector<1x16xf32>,
          %swap3A_147 = vector.shape_cast %swap3A_146 : vector<1x16xf32> to vector<16xf32>
          %swap3A_148 = vector.shape_cast %select_n3A : vector<16xf32> to vector<1x16xf32>
          tpu.vector_store %arg9[%swap3A_144, %swap3A_145], %swap3A_148 {strides = array<i32>} : memref<80x80xf32, #tpu.memory_space<vmem>>, vector<1x16xf32>,
        }
        %scan3A_81 = arith.constant 80 : i32
        %run_scoped3A = arith.constant 1 : i32
        "tpu.region"() ({
          %run_scoped3A_82 = tpu.sem_alloc : memref<!tpu.dma_semaphore, #tpu.memory_space<semaphore_mem>>
          %dma_start3A = arith.constant 0 : i32
          %dma_start3A_83 = tpu.memref_slice %arg7[%run_scoped3A, %dma_start3A] : memref<2x80xi32, #tpu.memory_space<vmem>> -> memref<1x80xi32, #tpu.memory_space<vmem>>
          %dma_start3A_84 = tpu.memref_squeeze %dma_start3A_83 : memref<1x80xi32, #tpu.memory_space<vmem>> -> memref<80xi32, #tpu.memory_space<vmem>>
          %dma_start3A_85 = arith.constant 0 : i32
          %dma_start3A_86 = arith.constant 0 : i32
          %dma_start3A_87 = tpu.memref_slice %arg12[%dma_start3A_85, %dma_start3A_86] : memref<10000x80xf32, #tpu.memory_space<vmem_shared>> -> memref<10000x80xf32, #tpu.memory_space<vmem_shared>>
          tpu.enqueue_indirect_dma source(%arg9 : memref<80x80xf32, #tpu.memory_space<vmem>>) target(%dma_start3A_87 : memref<10000x80xf32, #tpu.memory_space<vmem_shared>>) offsets(%dma_start3A_84 : memref<80xi32, #tpu.memory_space<vmem>>) semaphore(%run_scoped3A_82 : memref<!tpu.dma_semaphore, #tpu.memory_space<semaphore_mem>>) {add = true}
          %dma_wait3A_88 = arith.constant 0 : i32
          %dma_wait3A_89 = tpu.memref_slice %arg7[%run_scoped3A, %dma_wait3A_88] : memref<2x80xi32, #tpu.memory_space<vmem>> -> memref<1x80xi32, #tpu.memory_space<vmem>>
          %dma_wait3A_90 = tpu.memref_squeeze %dma_wait3A_89 : memref<1x80xi32, #tpu.memory_space<vmem>> -> memref<80xi32, #tpu.memory_space<vmem>>
          %dma_wait3A_91 = arith.constant 0 : i32
          %dma_wait3A_92 = arith.constant 0 : i32
          %dma_wait3A_93 = tpu.memref_slice %arg12[%dma_wait3A_91, %dma_wait3A_92] : memref<10000x80xf32, #tpu.memory_space<vmem_shared>> -> memref<10000x80xf32, #tpu.memory_space<vmem_shared>>
          tpu.wait_indirect_dma semaphore(%run_scoped3A_82 : memref<!tpu.dma_semaphore, #tpu.memory_space<semaphore_mem>>) src(%arg9 : memref<80x80xf32, #tpu.memory_space<vmem>>) dst(%dma_wait3A_93 : memref<10000x80xf32, #tpu.memory_space<vmem_shared>>)
          tpu.yield
        }) : () -> ()
      } else {
      }
    }
    %scan3A_24 = arith.constant 63 : i32
    %barrier3A_25 = arith.constant 0 : index
    tpu.barrier barrier_id(%barrier3A_25)
    %mul3A_26 = arith.constant 625 : i32
    %mul3A_27 = arith.muli %arg1, %mul3A_26 : i32
    %mul3A_28 = arith.constant 625 : i32
    %mul3A_29 = arith.muli %arg1, %mul3A_28 : i32
    "tpu.region"() ({
      %run_scoped3A = tpu.sem_alloc : memref<!tpu.dma_semaphore, #tpu.memory_space<semaphore_mem>>
      %dma_start3A = arith.constant 0 : i32
      %dma_start3A_30 = tpu.memref_slice %arg5[%arg0, %mul3A_29, %dma_start3A] : memref<2x10000x80xf32, #tpu.memory_space<hbm>> -> memref<1x625x80xf32, #tpu.memory_space<hbm>>
      %dma_start3A_31 = tpu.memref_squeeze %dma_start3A_30 : memref<1x625x80xf32, #tpu.memory_space<hbm>> -> memref<625x80xf32, #tpu.memory_space<hbm>>
      %dma_start3A_32 = arith.constant 0 : i32
      %dma_start3A_33 = tpu.memref_slice %arg12[%mul3A_27, %dma_start3A_32] : memref<10000x80xf32, #tpu.memory_space<vmem_shared>> -> memref<625x80xf32, #tpu.memory_space<vmem_shared>>
      tpu.enqueue_dma source(%dma_start3A_33 : memref<625x80xf32, #tpu.memory_space<vmem_shared>>) target(%dma_start3A_31 : memref<625x80xf32, #tpu.memory_space<hbm>>) target_semaphore(%run_scoped3A : memref<!tpu.dma_semaphore, #tpu.memory_space<semaphore_mem>>)
      %dma_wait3A = arith.constant 0 : i32
      %dma_wait3A_34 = tpu.memref_slice %arg5[%arg0, %mul3A_29, %dma_wait3A] : memref<2x10000x80xf32, #tpu.memory_space<hbm>> -> memref<1x625x80xf32, #tpu.memory_space<hbm>>
      %dma_wait3A_35 = tpu.memref_squeeze %dma_wait3A_34 : memref<1x625x80xf32, #tpu.memory_space<hbm>> -> memref<625x80xf32, #tpu.memory_space<hbm>>
      %dma_wait3A_36 = arith.constant 0 : i32
      %dma_wait3A_37 = tpu.memref_slice %arg12[%mul3A_27, %dma_wait3A_36] : memref<10000x80xf32, #tpu.memory_space<vmem_shared>> -> memref<625x80xf32, #tpu.memory_space<vmem_shared>>
      tpu.wait_dma2 semaphore(%run_scoped3A : memref<!tpu.dma_semaphore, #tpu.memory_space<semaphore_mem>>) src(%dma_wait3A_37 : memref<625x80xf32, #tpu.memory_space<vmem_shared>>) dst(%dma_wait3A_35 : memref<625x80xf32, #tpu.memory_space<hbm>>)
      tpu.yield
    }) : () -> ()
    return
  }
}

#map = affine_map<(d0, d1) -> (0, 0)>
#map1 = affine_map<(d0, d1) -> (0, 0, 0)>
module attributes {stable_mosaic.version = 14 : i64} {
  func.func @edge_phase(%arg0: i32, %arg1: i32, %arg2: memref<10000x144xf32, #tpu.memory_space<hbm>>, %arg3: memref<2x320000xi32, #tpu.memory_space<hbm>>, %arg4: memref<10000x16xf32, #tpu.memory_space<hbm>>, %arg5: memref<2x10000x144xf32, #tpu.memory_space<hbm>>, %arg6: memref<2x80xi32, #tpu.memory_space<vmem>>, %arg7: memref<2x80xi32, #tpu.memory_space<vmem>>, %arg8: memref<80x144xf32, #tpu.memory_space<vmem>>, %arg9: memref<80x144xf32, #tpu.memory_space<vmem>>, %arg10: memref<80x16xf32, #tpu.memory_space<vmem>>, %arg11: memref<80x16xf32, #tpu.memory_space<vmem>>, %arg12: memref<10000x144xf32, #tpu.memory_space<vmem_shared>>, %arg13: memref<!tpu.dma_semaphore, #tpu.memory_space<semaphore_mem>>, %arg14: memref<!tpu.dma_semaphore, #tpu.memory_space<semaphore_mem>>) attributes {dimension_semantics = [#tpu.dimension_semantics<core_parallel>, #tpu.dimension_semantics<subcore_parallel>], iteration_bounds = array<i64: 2, 16>, scalar_prefetch = 0 : i64, scratch_operands = 9 : i64, tpu.core_type = #tpu.core_type<sc_vector_subcore>, window_params = [{transform_indices = #map}, {transform_indices = #map}, {transform_indices = #map}, {transform_indices = #map1}]} {
    %mul3A = arith.constant 2 : i32
    %mul3A_0 = arith.muli %arg1, %mul3A : i32
    %add3A = arith.addi %mul3A_0, %arg0 : i32
    %iota3A = tpu.iota {dimensions = array<i32: 0>} : vector<16xi32>
    %scan3A = arith.constant 0 : i32
    %scan3A_1 = arith.constant 80 : i32
    %scan3A_2 = arith.addi %scan3A, %scan3A_1 : i32
    %scan3A_3 = arith.constant 1 : i32
    scf.for %scan3A_30 = %scan3A to %scan3A_2 step %scan3A_3  : i32 {
      %mul3A_31 = arith.constant 1 : i32
      %mul3A_32 = arith.muli %scan3A_30, %mul3A_31 : i32
      %add3A_33 = arith.constant 0 : i32
      %add3A_34 = arith.addi %add3A_33, %mul3A_32 : i32
      %scan3A_35 = arith.constant 0 : i32
      %scan3A_36 = arith.constant 9 : i32
      %scan3A_37 = arith.addi %scan3A_35, %scan3A_36 : i32
      %scan3A_38 = arith.constant 1 : i32
      scf.for %scan3A_40 = %scan3A_35 to %scan3A_37 step %scan3A_38  : i32 {
        %mul3A_41 = arith.constant 16 : i32
        %mul3A_42 = arith.muli %scan3A_40, %mul3A_41 : i32
        %add3A_43 = arith.constant 0 : i32
        %add3A_44 = arith.addi %add3A_43, %mul3A_42 : i32
        %broadcast_in_dim3A = arith.constant 0.000000e+00 : f32
        %broadcast_in_dim3A_45 = vector.broadcast %broadcast_in_dim3A : f32 to vector<16xf32>
        %swap3A = arith.index_cast %add3A_34 : i32 to index
        %swap3A_46 = arith.index_cast %add3A_44 : i32 to index
        %swap3A_47 = tpu.vector_load %arg8[%swap3A, %swap3A_46] {strides = array<i32>} : memref<80x144xf32, #tpu.memory_space<vmem>>, vector<1x16xf32>,
        %swap3A_48 = vector.shape_cast %swap3A_47 : vector<1x16xf32> to vector<16xf32>
        %swap3A_49 = vector.shape_cast %broadcast_in_dim3A_45 : vector<16xf32> to vector<1x16xf32>
        tpu.vector_store %arg8[%swap3A, %swap3A_46], %swap3A_49 {strides = array<i32>} : memref<80x144xf32, #tpu.memory_space<vmem>>, vector<1x16xf32>,
      }
      %scan3A_39 = arith.constant 9 : i32
    }
    %scan3A_4 = arith.constant 80 : i32
    %scan3A_5 = arith.constant 0 : i32
    %scan3A_6 = arith.constant 25 : i32
    %scan3A_7 = arith.addi %scan3A_5, %scan3A_6 : i32
    %scan3A_8 = arith.constant 1 : i32
    scf.for %scan3A_30 = %scan3A_5 to %scan3A_7 step %scan3A_8  : i32 {
      %mul3A_31 = arith.constant 1 : i32
      %mul3A_32 = arith.muli %scan3A_30, %mul3A_31 : i32
      %add3A_33 = arith.constant 0 : i32
      %add3A_34 = arith.addi %add3A_33, %mul3A_32 : i32
      %mul3A_35 = arith.constant 625 : i32
      %mul3A_36 = arith.muli %arg1, %mul3A_35 : i32
      %mul3A_37 = arith.constant 25 : i32
      %mul3A_38 = arith.muli %add3A_34, %mul3A_37 : i32
      %add3A_39 = arith.addi %mul3A_36, %mul3A_38 : i32
      "tpu.region"() ({
        %run_scoped3A = tpu.sem_alloc : memref<!tpu.dma_semaphore, #tpu.memory_space<semaphore_mem>>
        %dma_start3A = arith.constant 0 : i32
        %dma_start3A_40 = arith.constant 0 : i32
        %dma_start3A_41 = tpu.memref_slice %arg8[%dma_start3A, %dma_start3A_40] : memref<80x144xf32, #tpu.memory_space<vmem>> -> memref<25x144xf32, #tpu.memory_space<vmem>>
        %dma_start3A_42 = arith.constant 0 : i32
        %dma_start3A_43 = tpu.memref_slice %arg12[%add3A_39, %dma_start3A_42] : memref<10000x144xf32, #tpu.memory_space<vmem_shared>> -> memref<25x144xf32, #tpu.memory_space<vmem_shared>>
        %dma_start3A_44 = arith.constant 0 : i32
        %dma_start3A_45 = tpu.memref_slice %arg12[%add3A_39, %dma_start3A_44] : memref<10000x144xf32, #tpu.memory_space<vmem_shared>> -> memref<25x144xf32, #tpu.memory_space<vmem_shared>>
        %dma_start3A_46 = arith.constant 0 : i32
        %dma_start3A_47 = arith.constant 0 : i32
        %dma_start3A_48 = tpu.memref_slice %arg8[%dma_start3A_46, %dma_start3A_47] : memref<80x144xf32, #tpu.memory_space<vmem>> -> memref<25x144xf32, #tpu.memory_space<vmem>>
        tpu.enqueue_dma source(%dma_start3A_48 : memref<25x144xf32, #tpu.memory_space<vmem>>) target(%dma_start3A_45 : memref<25x144xf32, #tpu.memory_space<vmem_shared>>) target_semaphore(%run_scoped3A : memref<!tpu.dma_semaphore, #tpu.memory_space<semaphore_mem>>)
        %dma_wait3A = arith.constant 0 : i32
        %dma_wait3A_49 = arith.constant 0 : i32
        %dma_wait3A_50 = tpu.memref_slice %arg8[%dma_wait3A, %dma_wait3A_49] : memref<80x144xf32, #tpu.memory_space<vmem>> -> memref<25x144xf32, #tpu.memory_space<vmem>>
        %dma_wait3A_51 = arith.constant 0 : i32
        %dma_wait3A_52 = tpu.memref_slice %arg12[%add3A_39, %dma_wait3A_51] : memref<10000x144xf32, #tpu.memory_space<vmem_shared>> -> memref<25x144xf32, #tpu.memory_space<vmem_shared>>
        %dma_wait3A_53 = arith.constant 0 : i32
        %dma_wait3A_54 = tpu.memref_slice %arg12[%add3A_39, %dma_wait3A_53] : memref<10000x144xf32, #tpu.memory_space<vmem_shared>> -> memref<25x144xf32, #tpu.memory_space<vmem_shared>>
        %dma_wait3A_55 = arith.constant 0 : i32
        %dma_wait3A_56 = arith.constant 0 : i32
        %dma_wait3A_57 = tpu.memref_slice %arg8[%dma_wait3A_55, %dma_wait3A_56] : memref<80x144xf32, #tpu.memory_space<vmem>> -> memref<25x144xf32, #tpu.memory_space<vmem>>
        tpu.wait_dma2 semaphore(%run_scoped3A : memref<!tpu.dma_semaphore, #tpu.memory_space<semaphore_mem>>) src(%dma_wait3A_57 : memref<25x144xf32, #tpu.memory_space<vmem>>) dst(%dma_wait3A_54 : memref<25x144xf32, #tpu.memory_space<vmem_shared>>)
        tpu.yield
      }) : () -> ()
    }
    %scan3A_9 = arith.constant 25 : i32
    %barrier3A = arith.constant 0 : index
    tpu.barrier barrier_id(%barrier3A)
    %add3A_10 = arith.constant 2 : i32
    %add3A_11 = vector.broadcast %add3A_10 : i32 to vector<16xi32>
    %add3A_12 = arith.addi %iota3A, %add3A_11 : vector<16xi32>
    %min3A = arith.constant 15 : i32
    %min3A_13 = vector.broadcast %min3A : i32 to vector<16xi32>
    %min3A_14 = arith.minsi %add3A_12, %min3A_13 : vector<16xi32>
    %lt3A = arith.constant 2 : i32
    %lt3A_15 = vector.broadcast %lt3A : i32 to vector<16xi32>
    %lt3A_16 = arith.cmpi slt, %iota3A, %lt3A_15 : vector<16xi32>
    %lt3A_17 = arith.constant 4000 : i32
    %lt3A_18 = arith.cmpi slt, %add3A, %lt3A_17 : i32
    %convert_element_type3A = arith.extui %lt3A_18 : i1 to i32
    %cond3A = arith.constant 0 : i32
    %cond3A_19 = arith.cmpi ne, %convert_element_type3A, %cond3A : i32
    scf.if %cond3A_19 {
      %mul3A_30 = arith.constant 80 : i32
      %mul3A_31 = arith.muli %add3A, %mul3A_30 : i32
      "tpu.region"() ({
        %run_scoped3A = tpu.sem_alloc : memref<!tpu.dma_semaphore, #tpu.memory_space<semaphore_mem>>
        %dma_start3A_45 = arith.constant 0 : i32
        %dma_start3A_46 = tpu.memref_slice %arg3[%dma_start3A_45, %mul3A_31] : memref<2x320000xi32, #tpu.memory_space<hbm>> -> memref<2x80xi32, #tpu.memory_space<hbm>>
        %dma_start3A_47 = arith.constant 0 : i32
        %dma_start3A_48 = tpu.memref_slice %arg3[%dma_start3A_47, %mul3A_31] : memref<2x320000xi32, #tpu.memory_space<hbm>> -> memref<2x80xi32, #tpu.memory_space<hbm>>
        tpu.enqueue_dma source(%dma_start3A_48 : memref<2x80xi32, #tpu.memory_space<hbm>>) target(%arg6 : memref<2x80xi32, #tpu.memory_space<vmem>>) target_semaphore(%run_scoped3A : memref<!tpu.dma_semaphore, #tpu.memory_space<semaphore_mem>>)
        %dma_wait3A = arith.constant 0 : i32
        %dma_wait3A_49 = tpu.memref_slice %arg3[%dma_wait3A, %mul3A_31] : memref<2x320000xi32, #tpu.memory_space<hbm>> -> memref<2x80xi32, #tpu.memory_space<hbm>>
        %dma_wait3A_50 = arith.constant 0 : i32
        %dma_wait3A_51 = tpu.memref_slice %arg3[%dma_wait3A_50, %mul3A_31] : memref<2x320000xi32, #tpu.memory_space<hbm>> -> memref<2x80xi32, #tpu.memory_space<hbm>>
        tpu.wait_dma2 semaphore(%run_scoped3A : memref<!tpu.dma_semaphore, #tpu.memory_space<semaphore_mem>>) src(%dma_wait3A_51 : memref<2x80xi32, #tpu.memory_space<hbm>>) dst(%arg6 : memref<2x80xi32, #tpu.memory_space<vmem>>)
        tpu.yield
      }) : () -> ()
      %dma_start3A = arith.constant 0 : i32
      %dma_start3A_32 = arith.constant 0 : i32
      %dma_start3A_33 = tpu.memref_slice %arg6[%dma_start3A, %dma_start3A_32] : memref<2x80xi32, #tpu.memory_space<vmem>> -> memref<1x80xi32, #tpu.memory_space<vmem>>
      %dma_start3A_34 = tpu.memref_squeeze %dma_start3A_33 : memref<1x80xi32, #tpu.memory_space<vmem>> -> memref<80xi32, #tpu.memory_space<vmem>>
      %dma_start3A_35 = arith.constant 0 : i32
      %dma_start3A_36 = arith.constant 0 : i32
      %dma_start3A_37 = tpu.memref_slice %arg2[%dma_start3A_35, %dma_start3A_36] : memref<10000x144xf32, #tpu.memory_space<hbm>> -> memref<10000x144xf32, #tpu.memory_space<hbm>>
      tpu.enqueue_indirect_dma source(%dma_start3A_37 : memref<10000x144xf32, #tpu.memory_space<hbm>>) target(%arg8 : memref<80x144xf32, #tpu.memory_space<vmem>>) offsets(%dma_start3A_34 : memref<80xi32, #tpu.memory_space<vmem>>) semaphore(%arg13 : memref<!tpu.dma_semaphore, #tpu.memory_space<semaphore_mem>>)
      %dma_start3A_38 = arith.constant 1 : i32
      %dma_start3A_39 = arith.constant 0 : i32
      %dma_start3A_40 = tpu.memref_slice %arg6[%dma_start3A_38, %dma_start3A_39] : memref<2x80xi32, #tpu.memory_space<vmem>> -> memref<1x80xi32, #tpu.memory_space<vmem>>
      %dma_start3A_41 = tpu.memref_squeeze %dma_start3A_40 : memref<1x80xi32, #tpu.memory_space<vmem>> -> memref<80xi32, #tpu.memory_space<vmem>>
      %dma_start3A_42 = arith.constant 0 : i32
      %dma_start3A_43 = arith.constant 0 : i32
      %dma_start3A_44 = tpu.memref_slice %arg4[%dma_start3A_42, %dma_start3A_43] : memref<10000x16xf32, #tpu.memory_space<hbm>> -> memref<10000x16xf32, #tpu.memory_space<hbm>>
      tpu.enqueue_indirect_dma source(%dma_start3A_44 : memref<10000x16xf32, #tpu.memory_space<hbm>>) target(%arg10 : memref<80x16xf32, #tpu.memory_space<vmem>>) offsets(%dma_start3A_41 : memref<80xi32, #tpu.memory_space<vmem>>) semaphore(%arg13 : memref<!tpu.dma_semaphore, #tpu.memory_space<semaphore_mem>>)
    } else {
    }
    %scan3A_20 = arith.constant 0 : i32
    %scan3A_21 = arith.constant 63 : i32
    %scan3A_22 = arith.addi %scan3A_20, %scan3A_21 : i32
    %scan3A_23 = arith.constant 1 : i32
    scf.for %scan3A_30 = %scan3A_20 to %scan3A_22 step %scan3A_23  : i32 {
      %mul3A_31 = arith.constant 1 : i32
      %mul3A_32 = arith.muli %scan3A_30, %mul3A_31 : i32
      %add3A_33 = arith.constant 0 : i32
      %add3A_34 = arith.addi %add3A_33, %mul3A_32 : i32
      %mul3A_35 = arith.constant 2 : i32
      %mul3A_36 = arith.muli %mul3A_35, %add3A_34 : i32
      %mul3A_37 = arith.constant 32 : i32
      %mul3A_38 = arith.muli %mul3A_36, %mul3A_37 : i32
      %add3A_39 = arith.addi %add3A, %mul3A_38 : i32
      %add3A_40 = arith.constant 32 : i32
      %add3A_41 = arith.addi %add3A_39, %add3A_40 : i32
      %add3A_42 = arith.constant 32 : i32
      %add3A_43 = arith.addi %add3A_41, %add3A_42 : i32
      %lt3A_44 = arith.constant 4000 : i32
      %lt3A_45 = arith.cmpi slt, %add3A_41, %lt3A_44 : i32
      %convert_element_type3A_46 = arith.extui %lt3A_45 : i1 to i32
      %cond3A_47 = arith.constant 0 : i32
      %cond3A_48 = arith.cmpi ne, %convert_element_type3A_46, %cond3A_47 : i32
      scf.if %cond3A_48 {
        %mul3A_64 = arith.constant 80 : i32
        %mul3A_65 = arith.muli %add3A_41, %mul3A_64 : i32
        "tpu.region"() ({
          %run_scoped3A = tpu.sem_alloc : memref<!tpu.dma_semaphore, #tpu.memory_space<semaphore_mem>>
          %dma_start3A_79 = arith.constant 0 : i32
          %dma_start3A_80 = tpu.memref_slice %arg3[%dma_start3A_79, %mul3A_65] : memref<2x320000xi32, #tpu.memory_space<hbm>> -> memref<2x80xi32, #tpu.memory_space<hbm>>
          %dma_start3A_81 = arith.constant 0 : i32
          %dma_start3A_82 = tpu.memref_slice %arg3[%dma_start3A_81, %mul3A_65] : memref<2x320000xi32, #tpu.memory_space<hbm>> -> memref<2x80xi32, #tpu.memory_space<hbm>>
          tpu.enqueue_dma source(%dma_start3A_82 : memref<2x80xi32, #tpu.memory_space<hbm>>) target(%arg7 : memref<2x80xi32, #tpu.memory_space<vmem>>) target_semaphore(%run_scoped3A : memref<!tpu.dma_semaphore, #tpu.memory_space<semaphore_mem>>)
          %dma_wait3A = arith.constant 0 : i32
          %dma_wait3A_83 = tpu.memref_slice %arg3[%dma_wait3A, %mul3A_65] : memref<2x320000xi32, #tpu.memory_space<hbm>> -> memref<2x80xi32, #tpu.memory_space<hbm>>
          %dma_wait3A_84 = arith.constant 0 : i32
          %dma_wait3A_85 = tpu.memref_slice %arg3[%dma_wait3A_84, %mul3A_65] : memref<2x320000xi32, #tpu.memory_space<hbm>> -> memref<2x80xi32, #tpu.memory_space<hbm>>
          tpu.wait_dma2 semaphore(%run_scoped3A : memref<!tpu.dma_semaphore, #tpu.memory_space<semaphore_mem>>) src(%dma_wait3A_85 : memref<2x80xi32, #tpu.memory_space<hbm>>) dst(%arg7 : memref<2x80xi32, #tpu.memory_space<vmem>>)
          tpu.yield
        }) : () -> ()
        %dma_start3A = arith.constant 0 : i32
        %dma_start3A_66 = arith.constant 0 : i32
        %dma_start3A_67 = tpu.memref_slice %arg7[%dma_start3A, %dma_start3A_66] : memref<2x80xi32, #tpu.memory_space<vmem>> -> memref<1x80xi32, #tpu.memory_space<vmem>>
        %dma_start3A_68 = tpu.memref_squeeze %dma_start3A_67 : memref<1x80xi32, #tpu.memory_space<vmem>> -> memref<80xi32, #tpu.memory_space<vmem>>
        %dma_start3A_69 = arith.constant 0 : i32
        %dma_start3A_70 = arith.constant 0 : i32
        %dma_start3A_71 = tpu.memref_slice %arg2[%dma_start3A_69, %dma_start3A_70] : memref<10000x144xf32, #tpu.memory_space<hbm>> -> memref<10000x144xf32, #tpu.memory_space<hbm>>
        tpu.enqueue_indirect_dma source(%dma_start3A_71 : memref<10000x144xf32, #tpu.memory_space<hbm>>) target(%arg9 : memref<80x144xf32, #tpu.memory_space<vmem>>) offsets(%dma_start3A_68 : memref<80xi32, #tpu.memory_space<vmem>>) semaphore(%arg14 : memref<!tpu.dma_semaphore, #tpu.memory_space<semaphore_mem>>)
        %dma_start3A_72 = arith.constant 1 : i32
        %dma_start3A_73 = arith.constant 0 : i32
        %dma_start3A_74 = tpu.memref_slice %arg7[%dma_start3A_72, %dma_start3A_73] : memref<2x80xi32, #tpu.memory_space<vmem>> -> memref<1x80xi32, #tpu.memory_space<vmem>>
        %dma_start3A_75 = tpu.memref_squeeze %dma_start3A_74 : memref<1x80xi32, #tpu.memory_space<vmem>> -> memref<80xi32, #tpu.memory_space<vmem>>
        %dma_start3A_76 = arith.constant 0 : i32
        %dma_start3A_77 = arith.constant 0 : i32
        %dma_start3A_78 = tpu.memref_slice %arg4[%dma_start3A_76, %dma_start3A_77] : memref<10000x16xf32, #tpu.memory_space<hbm>> -> memref<10000x16xf32, #tpu.memory_space<hbm>>
        tpu.enqueue_indirect_dma source(%dma_start3A_78 : memref<10000x16xf32, #tpu.memory_space<hbm>>) target(%arg11 : memref<80x16xf32, #tpu.memory_space<vmem>>) offsets(%dma_start3A_75 : memref<80xi32, #tpu.memory_space<vmem>>) semaphore(%arg14 : memref<!tpu.dma_semaphore, #tpu.memory_space<semaphore_mem>>)
      } else {
      }
      %lt3A_49 = arith.constant 4000 : i32
      %lt3A_50 = arith.cmpi slt, %add3A_39, %lt3A_49 : i32
      %convert_element_type3A_51 = arith.extui %lt3A_50 : i1 to i32
      %cond3A_52 = arith.constant 0 : i32
      %cond3A_53 = arith.cmpi ne, %convert_element_type3A_51, %cond3A_52 : i32
      scf.if %cond3A_53 {
        %dma_wait3A = arith.constant 0 : i32
        %dma_wait3A_64 = arith.constant 0 : i32
        %dma_wait3A_65 = tpu.memref_slice %arg6[%dma_wait3A, %dma_wait3A_64] : memref<2x80xi32, #tpu.memory_space<vmem>> -> memref<1x80xi32, #tpu.memory_space<vmem>>
        %dma_wait3A_66 = tpu.memref_squeeze %dma_wait3A_65 : memref<1x80xi32, #tpu.memory_space<vmem>> -> memref<80xi32, #tpu.memory_space<vmem>>
        %dma_wait3A_67 = arith.constant 0 : i32
        %dma_wait3A_68 = arith.constant 0 : i32
        %dma_wait3A_69 = tpu.memref_slice %arg2[%dma_wait3A_67, %dma_wait3A_68] : memref<10000x144xf32, #tpu.memory_space<hbm>> -> memref<10000x144xf32, #tpu.memory_space<hbm>>
        tpu.wait_indirect_dma semaphore(%arg13 : memref<!tpu.dma_semaphore, #tpu.memory_space<semaphore_mem>>) src(%dma_wait3A_69 : memref<10000x144xf32, #tpu.memory_space<hbm>>) dst(%arg8 : memref<80x144xf32, #tpu.memory_space<vmem>>)
        %dma_wait3A_70 = arith.constant 1 : i32
        %dma_wait3A_71 = arith.constant 0 : i32
        %dma_wait3A_72 = tpu.memref_slice %arg6[%dma_wait3A_70, %dma_wait3A_71] : memref<2x80xi32, #tpu.memory_space<vmem>> -> memref<1x80xi32, #tpu.memory_space<vmem>>
        %dma_wait3A_73 = tpu.memref_squeeze %dma_wait3A_72 : memref<1x80xi32, #tpu.memory_space<vmem>> -> memref<80xi32, #tpu.memory_space<vmem>>
        %dma_wait3A_74 = arith.constant 0 : i32
        %dma_wait3A_75 = arith.constant 0 : i32
        %dma_wait3A_76 = tpu.memref_slice %arg4[%dma_wait3A_74, %dma_wait3A_75] : memref<10000x16xf32, #tpu.memory_space<hbm>> -> memref<10000x16xf32, #tpu.memory_space<hbm>>
        tpu.wait_indirect_dma semaphore(%arg13 : memref<!tpu.dma_semaphore, #tpu.memory_space<semaphore_mem>>) src(%dma_wait3A_76 : memref<10000x16xf32, #tpu.memory_space<hbm>>) dst(%arg10 : memref<80x16xf32, #tpu.memory_space<vmem>>)
        %scan3A_77 = arith.constant 0 : i32
        %scan3A_78 = arith.constant 80 : i32
        %scan3A_79 = arith.addi %scan3A_77, %scan3A_78 : i32
        %scan3A_80 = arith.constant 1 : i32
        scf.for %scan3A_82 = %scan3A_77 to %scan3A_79 step %scan3A_80  : i32 {
          %mul3A_83 = arith.constant 1 : i32
          %mul3A_84 = arith.muli %scan3A_82, %mul3A_83 : i32
          %add3A_85 = arith.constant 0 : i32
          %add3A_86 = arith.addi %add3A_85, %mul3A_84 : i32
          %get3A = arith.index_cast %add3A_86 : i32 to index
          %get3A_87 = arith.constant 128 : index
          %get3A_88 = tpu.vector_load %arg8[%get3A, %get3A_87] {strides = array<i32>} : memref<80x144xf32, #tpu.memory_space<vmem>>, vector<1x16xf32>,
          %get3A_89 = vector.shape_cast %get3A_88 : vector<1x16xf32> to vector<16xf32>
          %get3A_90 = arith.index_cast %add3A_86 : i32 to index
          %get3A_91 = arith.constant 0 : index
          %get3A_92 = tpu.vector_load %arg10[%get3A_90, %get3A_91] {strides = array<i32>} : memref<80x16xf32, #tpu.memory_space<vmem>>, vector<1x16xf32>,
          %get3A_93 = vector.shape_cast %get3A_92 : vector<1x16xf32> to vector<16xf32>
          %broadcast_in_dim3A = vector.shape_cast %min3A_14 : vector<16xi32> to vector<16x1xi32>
          %gather3A = vector.shape_cast %broadcast_in_dim3A : vector<16x1xi32> to vector<16xi32>
          %gather3A_94 = tpu.dynamic_gather %get3A_93[%gather3A] in [0] : vector<16xf32>, vector<16xi32> -> vector<16xf32>
          %add3A_95 = arith.addf %get3A_89, %gather3A_94 : vector<16xf32>
          %mul3A_96 = arith.constant 2.000000e-01 : f32
          %mul3A_97 = vector.broadcast %mul3A_96 : f32 to vector<16xf32>
          %mul3A_98 = arith.mulf %mul3A_97, %add3A_95 : vector<16xf32>
          %max3A = arith.maximumf %add3A_95, %mul3A_98 : vector<16xf32>
          %exp3A = math.exp %max3A : vector<16xf32>
          %broadcast_in_dim3A_99 = arith.constant 0 : i32
          %broadcast_in_dim3A_100 = vector.broadcast %broadcast_in_dim3A_99 : i32 to vector<16xi32>
          %broadcast_in_dim3A_101 = vector.shape_cast %broadcast_in_dim3A_100 : vector<16xi32> to vector<16x1xi32>
          %gather3A_102 = vector.shape_cast %broadcast_in_dim3A_101 : vector<16x1xi32> to vector<16xi32>
          %gather3A_103 = tpu.dynamic_gather %exp3A[%gather3A_102] in [0] : vector<16xf32>, vector<16xi32> -> vector<16xf32>
          %get3A_104 = arith.index_cast %add3A_86 : i32 to index
          %get3A_105 = arith.constant 0 : index
          %get3A_106 = tpu.vector_load %arg8[%get3A_104, %get3A_105] {strides = array<i32>} : memref<80x144xf32, #tpu.memory_space<vmem>>, vector<1x16xf32>,
          %get3A_107 = vector.shape_cast %get3A_106 : vector<1x16xf32> to vector<16xf32>
          %mul3A_108 = arith.mulf %get3A_107, %gather3A_103 : vector<16xf32>
          %swap3A = arith.index_cast %add3A_86 : i32 to index
          %swap3A_109 = arith.constant 0 : index
          %swap3A_110 = tpu.vector_load %arg8[%swap3A, %swap3A_109] {strides = array<i32>} : memref<80x144xf32, #tpu.memory_space<vmem>>, vector<1x16xf32>,
          %swap3A_111 = vector.shape_cast %swap3A_110 : vector<1x16xf32> to vector<16xf32>
          %swap3A_112 = vector.shape_cast %mul3A_108 : vector<16xf32> to vector<1x16xf32>
          tpu.vector_store %arg8[%swap3A, %swap3A_109], %swap3A_112 {strides = array<i32>} : memref<80x144xf32, #tpu.memory_space<vmem>>, vector<1x16xf32>,
          %get3A_113 = arith.index_cast %add3A_86 : i32 to index
          %get3A_114 = arith.constant 16 : index
          %get3A_115 = tpu.vector_load %arg8[%get3A_113, %get3A_114] {strides = array<i32>} : memref<80x144xf32, #tpu.memory_space<vmem>>, vector<1x16xf32>,
          %get3A_116 = vector.shape_cast %get3A_115 : vector<1x16xf32> to vector<16xf32>
          %mul3A_117 = arith.mulf %get3A_116, %gather3A_103 : vector<16xf32>
          %swap3A_118 = arith.index_cast %add3A_86 : i32 to index
          %swap3A_119 = arith.constant 16 : index
          %swap3A_120 = tpu.vector_load %arg8[%swap3A_118, %swap3A_119] {strides = array<i32>} : memref<80x144xf32, #tpu.memory_space<vmem>>, vector<1x16xf32>,
          %swap3A_121 = vector.shape_cast %swap3A_120 : vector<1x16xf32> to vector<16xf32>
          %swap3A_122 = vector.shape_cast %mul3A_117 : vector<16xf32> to vector<1x16xf32>
          tpu.vector_store %arg8[%swap3A_118, %swap3A_119], %swap3A_122 {strides = array<i32>} : memref<80x144xf32, #tpu.memory_space<vmem>>, vector<1x16xf32>,
          %get3A_123 = arith.index_cast %add3A_86 : i32 to index
          %get3A_124 = arith.constant 32 : index
          %get3A_125 = tpu.vector_load %arg8[%get3A_123, %get3A_124] {strides = array<i32>} : memref<80x144xf32, #tpu.memory_space<vmem>>, vector<1x16xf32>,
          %get3A_126 = vector.shape_cast %get3A_125 : vector<1x16xf32> to vector<16xf32>
          %mul3A_127 = arith.mulf %get3A_126, %gather3A_103 : vector<16xf32>
          %swap3A_128 = arith.index_cast %add3A_86 : i32 to index
          %swap3A_129 = arith.constant 32 : index
          %swap3A_130 = tpu.vector_load %arg8[%swap3A_128, %swap3A_129] {strides = array<i32>} : memref<80x144xf32, #tpu.memory_space<vmem>>, vector<1x16xf32>,
          %swap3A_131 = vector.shape_cast %swap3A_130 : vector<1x16xf32> to vector<16xf32>
          %swap3A_132 = vector.shape_cast %mul3A_127 : vector<16xf32> to vector<1x16xf32>
          tpu.vector_store %arg8[%swap3A_128, %swap3A_129], %swap3A_132 {strides = array<i32>} : memref<80x144xf32, #tpu.memory_space<vmem>>, vector<1x16xf32>,
          %get3A_133 = arith.index_cast %add3A_86 : i32 to index
          %get3A_134 = arith.constant 48 : index
          %get3A_135 = tpu.vector_load %arg8[%get3A_133, %get3A_134] {strides = array<i32>} : memref<80x144xf32, #tpu.memory_space<vmem>>, vector<1x16xf32>,
          %get3A_136 = vector.shape_cast %get3A_135 : vector<1x16xf32> to vector<16xf32>
          %mul3A_137 = arith.mulf %get3A_136, %gather3A_103 : vector<16xf32>
          %swap3A_138 = arith.index_cast %add3A_86 : i32 to index
          %swap3A_139 = arith.constant 48 : index
          %swap3A_140 = tpu.vector_load %arg8[%swap3A_138, %swap3A_139] {strides = array<i32>} : memref<80x144xf32, #tpu.memory_space<vmem>>, vector<1x16xf32>,
          %swap3A_141 = vector.shape_cast %swap3A_140 : vector<1x16xf32> to vector<16xf32>
          %swap3A_142 = vector.shape_cast %mul3A_137 : vector<16xf32> to vector<1x16xf32>
          tpu.vector_store %arg8[%swap3A_138, %swap3A_139], %swap3A_142 {strides = array<i32>} : memref<80x144xf32, #tpu.memory_space<vmem>>, vector<1x16xf32>,
          %broadcast_in_dim3A_143 = arith.constant 1 : i32
          %broadcast_in_dim3A_144 = vector.broadcast %broadcast_in_dim3A_143 : i32 to vector<16xi32>
          %broadcast_in_dim3A_145 = vector.shape_cast %broadcast_in_dim3A_144 : vector<16xi32> to vector<16x1xi32>
          %gather3A_146 = vector.shape_cast %broadcast_in_dim3A_145 : vector<16x1xi32> to vector<16xi32>
          %gather3A_147 = tpu.dynamic_gather %exp3A[%gather3A_146] in [0] : vector<16xf32>, vector<16xi32> -> vector<16xf32>
          %get3A_148 = arith.index_cast %add3A_86 : i32 to index
          %get3A_149 = arith.constant 64 : index
          %get3A_150 = tpu.vector_load %arg8[%get3A_148, %get3A_149] {strides = array<i32>} : memref<80x144xf32, #tpu.memory_space<vmem>>, vector<1x16xf32>,
          %get3A_151 = vector.shape_cast %get3A_150 : vector<1x16xf32> to vector<16xf32>
          %mul3A_152 = arith.mulf %get3A_151, %gather3A_147 : vector<16xf32>
          %swap3A_153 = arith.index_cast %add3A_86 : i32 to index
          %swap3A_154 = arith.constant 64 : index
          %swap3A_155 = tpu.vector_load %arg8[%swap3A_153, %swap3A_154] {strides = array<i32>} : memref<80x144xf32, #tpu.memory_space<vmem>>, vector<1x16xf32>,
          %swap3A_156 = vector.shape_cast %swap3A_155 : vector<1x16xf32> to vector<16xf32>
          %swap3A_157 = vector.shape_cast %mul3A_152 : vector<16xf32> to vector<1x16xf32>
          tpu.vector_store %arg8[%swap3A_153, %swap3A_154], %swap3A_157 {strides = array<i32>} : memref<80x144xf32, #tpu.memory_space<vmem>>, vector<1x16xf32>,
          %get3A_158 = arith.index_cast %add3A_86 : i32 to index
          %get3A_159 = arith.constant 80 : index
          %get3A_160 = tpu.vector_load %arg8[%get3A_158, %get3A_159] {strides = array<i32>} : memref<80x144xf32, #tpu.memory_space<vmem>>, vector<1x16xf32>,
          %get3A_161 = vector.shape_cast %get3A_160 : vector<1x16xf32> to vector<16xf32>
          %mul3A_162 = arith.mulf %get3A_161, %gather3A_147 : vector<16xf32>
          %swap3A_163 = arith.index_cast %add3A_86 : i32 to index
          %swap3A_164 = arith.constant 80 : index
          %swap3A_165 = tpu.vector_load %arg8[%swap3A_163, %swap3A_164] {strides = array<i32>} : memref<80x144xf32, #tpu.memory_space<vmem>>, vector<1x16xf32>,
          %swap3A_166 = vector.shape_cast %swap3A_165 : vector<1x16xf32> to vector<16xf32>
          %swap3A_167 = vector.shape_cast %mul3A_162 : vector<16xf32> to vector<1x16xf32>
          tpu.vector_store %arg8[%swap3A_163, %swap3A_164], %swap3A_167 {strides = array<i32>} : memref<80x144xf32, #tpu.memory_space<vmem>>, vector<1x16xf32>,
          %get3A_168 = arith.index_cast %add3A_86 : i32 to index
          %get3A_169 = arith.constant 96 : index
          %get3A_170 = tpu.vector_load %arg8[%get3A_168, %get3A_169] {strides = array<i32>} : memref<80x144xf32, #tpu.memory_space<vmem>>, vector<1x16xf32>,
          %get3A_171 = vector.shape_cast %get3A_170 : vector<1x16xf32> to vector<16xf32>
          %mul3A_172 = arith.mulf %get3A_171, %gather3A_147 : vector<16xf32>
          %swap3A_173 = arith.index_cast %add3A_86 : i32 to index
          %swap3A_174 = arith.constant 96 : index
          %swap3A_175 = tpu.vector_load %arg8[%swap3A_173, %swap3A_174] {strides = array<i32>} : memref<80x144xf32, #tpu.memory_space<vmem>>, vector<1x16xf32>,
          %swap3A_176 = vector.shape_cast %swap3A_175 : vector<1x16xf32> to vector<16xf32>
          %swap3A_177 = vector.shape_cast %mul3A_172 : vector<16xf32> to vector<1x16xf32>
          tpu.vector_store %arg8[%swap3A_173, %swap3A_174], %swap3A_177 {strides = array<i32>} : memref<80x144xf32, #tpu.memory_space<vmem>>, vector<1x16xf32>,
          %get3A_178 = arith.index_cast %add3A_86 : i32 to index
          %get3A_179 = arith.constant 112 : index
          %get3A_180 = tpu.vector_load %arg8[%get3A_178, %get3A_179] {strides = array<i32>} : memref<80x144xf32, #tpu.memory_space<vmem>>, vector<1x16xf32>,
          %get3A_181 = vector.shape_cast %get3A_180 : vector<1x16xf32> to vector<16xf32>
          %mul3A_182 = arith.mulf %get3A_181, %gather3A_147 : vector<16xf32>
          %swap3A_183 = arith.index_cast %add3A_86 : i32 to index
          %swap3A_184 = arith.constant 112 : index
          %swap3A_185 = tpu.vector_load %arg8[%swap3A_183, %swap3A_184] {strides = array<i32>} : memref<80x144xf32, #tpu.memory_space<vmem>>, vector<1x16xf32>,
          %swap3A_186 = vector.shape_cast %swap3A_185 : vector<1x16xf32> to vector<16xf32>
          %swap3A_187 = vector.shape_cast %mul3A_182 : vector<16xf32> to vector<1x16xf32>
          tpu.vector_store %arg8[%swap3A_183, %swap3A_184], %swap3A_187 {strides = array<i32>} : memref<80x144xf32, #tpu.memory_space<vmem>>, vector<1x16xf32>,
          %jit3A = arith.constant 0.000000e+00 : f32
          %broadcast_in_dim3A_188 = vector.broadcast %jit3A : f32 to vector<16xf32>
          %select_n3A = arith.select %lt3A_16, %exp3A, %broadcast_in_dim3A_188 : vector<16xi1>, vector<16xf32>
          %swap3A_189 = arith.index_cast %add3A_86 : i32 to index
          %swap3A_190 = arith.constant 128 : index
          %swap3A_191 = tpu.vector_load %arg8[%swap3A_189, %swap3A_190] {strides = array<i32>} : memref<80x144xf32, #tpu.memory_space<vmem>>, vector<1x16xf32>,
          %swap3A_192 = vector.shape_cast %swap3A_191 : vector<1x16xf32> to vector<16xf32>
          %swap3A_193 = vector.shape_cast %select_n3A : vector<16xf32> to vector<1x16xf32>
          tpu.vector_store %arg8[%swap3A_189, %swap3A_190], %swap3A_193 {strides = array<i32>} : memref<80x144xf32, #tpu.memory_space<vmem>>, vector<1x16xf32>,
        }
        %scan3A_81 = arith.constant 80 : i32
        %run_scoped3A = arith.constant 1 : i32
        "tpu.region"() ({
          %run_scoped3A_82 = tpu.sem_alloc : memref<!tpu.dma_semaphore, #tpu.memory_space<semaphore_mem>>
          %dma_start3A = arith.constant 0 : i32
          %dma_start3A_83 = tpu.memref_slice %arg6[%run_scoped3A, %dma_start3A] : memref<2x80xi32, #tpu.memory_space<vmem>> -> memref<1x80xi32, #tpu.memory_space<vmem>>
          %dma_start3A_84 = tpu.memref_squeeze %dma_start3A_83 : memref<1x80xi32, #tpu.memory_space<vmem>> -> memref<80xi32, #tpu.memory_space<vmem>>
          %dma_start3A_85 = arith.constant 0 : i32
          %dma_start3A_86 = arith.constant 0 : i32
          %dma_start3A_87 = tpu.memref_slice %arg12[%dma_start3A_85, %dma_start3A_86] : memref<10000x144xf32, #tpu.memory_space<vmem_shared>> -> memref<10000x144xf32, #tpu.memory_space<vmem_shared>>
          tpu.enqueue_indirect_dma source(%arg8 : memref<80x144xf32, #tpu.memory_space<vmem>>) target(%dma_start3A_87 : memref<10000x144xf32, #tpu.memory_space<vmem_shared>>) offsets(%dma_start3A_84 : memref<80xi32, #tpu.memory_space<vmem>>) semaphore(%run_scoped3A_82 : memref<!tpu.dma_semaphore, #tpu.memory_space<semaphore_mem>>) {add = true}
          %dma_wait3A_88 = arith.constant 0 : i32
          %dma_wait3A_89 = tpu.memref_slice %arg6[%run_scoped3A, %dma_wait3A_88] : memref<2x80xi32, #tpu.memory_space<vmem>> -> memref<1x80xi32, #tpu.memory_space<vmem>>
          %dma_wait3A_90 = tpu.memref_squeeze %dma_wait3A_89 : memref<1x80xi32, #tpu.memory_space<vmem>> -> memref<80xi32, #tpu.memory_space<vmem>>
          %dma_wait3A_91 = arith.constant 0 : i32
          %dma_wait3A_92 = arith.constant 0 : i32
          %dma_wait3A_93 = tpu.memref_slice %arg12[%dma_wait3A_91, %dma_wait3A_92] : memref<10000x144xf32, #tpu.memory_space<vmem_shared>> -> memref<10000x144xf32, #tpu.memory_space<vmem_shared>>
          tpu.wait_indirect_dma semaphore(%run_scoped3A_82 : memref<!tpu.dma_semaphore, #tpu.memory_space<semaphore_mem>>) src(%arg8 : memref<80x144xf32, #tpu.memory_space<vmem>>) dst(%dma_wait3A_93 : memref<10000x144xf32, #tpu.memory_space<vmem_shared>>)
          tpu.yield
        }) : () -> ()
      } else {
      }
      %lt3A_54 = arith.constant 4000 : i32
      %lt3A_55 = arith.cmpi slt, %add3A_43, %lt3A_54 : i32
      %convert_element_type3A_56 = arith.extui %lt3A_55 : i1 to i32
      %cond3A_57 = arith.constant 0 : i32
      %cond3A_58 = arith.cmpi ne, %convert_element_type3A_56, %cond3A_57 : i32
      scf.if %cond3A_58 {
        %mul3A_64 = arith.constant 80 : i32
        %mul3A_65 = arith.muli %add3A_43, %mul3A_64 : i32
        "tpu.region"() ({
          %run_scoped3A = tpu.sem_alloc : memref<!tpu.dma_semaphore, #tpu.memory_space<semaphore_mem>>
          %dma_start3A_79 = arith.constant 0 : i32
          %dma_start3A_80 = tpu.memref_slice %arg3[%dma_start3A_79, %mul3A_65] : memref<2x320000xi32, #tpu.memory_space<hbm>> -> memref<2x80xi32, #tpu.memory_space<hbm>>
          %dma_start3A_81 = arith.constant 0 : i32
          %dma_start3A_82 = tpu.memref_slice %arg3[%dma_start3A_81, %mul3A_65] : memref<2x320000xi32, #tpu.memory_space<hbm>> -> memref<2x80xi32, #tpu.memory_space<hbm>>
          tpu.enqueue_dma source(%dma_start3A_82 : memref<2x80xi32, #tpu.memory_space<hbm>>) target(%arg6 : memref<2x80xi32, #tpu.memory_space<vmem>>) target_semaphore(%run_scoped3A : memref<!tpu.dma_semaphore, #tpu.memory_space<semaphore_mem>>)
          %dma_wait3A = arith.constant 0 : i32
          %dma_wait3A_83 = tpu.memref_slice %arg3[%dma_wait3A, %mul3A_65] : memref<2x320000xi32, #tpu.memory_space<hbm>> -> memref<2x80xi32, #tpu.memory_space<hbm>>
          %dma_wait3A_84 = arith.constant 0 : i32
          %dma_wait3A_85 = tpu.memref_slice %arg3[%dma_wait3A_84, %mul3A_65] : memref<2x320000xi32, #tpu.memory_space<hbm>> -> memref<2x80xi32, #tpu.memory_space<hbm>>
          tpu.wait_dma2 semaphore(%run_scoped3A : memref<!tpu.dma_semaphore, #tpu.memory_space<semaphore_mem>>) src(%dma_wait3A_85 : memref<2x80xi32, #tpu.memory_space<hbm>>) dst(%arg6 : memref<2x80xi32, #tpu.memory_space<vmem>>)
          tpu.yield
        }) : () -> ()
        %dma_start3A = arith.constant 0 : i32
        %dma_start3A_66 = arith.constant 0 : i32
        %dma_start3A_67 = tpu.memref_slice %arg6[%dma_start3A, %dma_start3A_66] : memref<2x80xi32, #tpu.memory_space<vmem>> -> memref<1x80xi32, #tpu.memory_space<vmem>>
        %dma_start3A_68 = tpu.memref_squeeze %dma_start3A_67 : memref<1x80xi32, #tpu.memory_space<vmem>> -> memref<80xi32, #tpu.memory_space<vmem>>
        %dma_start3A_69 = arith.constant 0 : i32
        %dma_start3A_70 = arith.constant 0 : i32
        %dma_start3A_71 = tpu.memref_slice %arg2[%dma_start3A_69, %dma_start3A_70] : memref<10000x144xf32, #tpu.memory_space<hbm>> -> memref<10000x144xf32, #tpu.memory_space<hbm>>
        tpu.enqueue_indirect_dma source(%dma_start3A_71 : memref<10000x144xf32, #tpu.memory_space<hbm>>) target(%arg8 : memref<80x144xf32, #tpu.memory_space<vmem>>) offsets(%dma_start3A_68 : memref<80xi32, #tpu.memory_space<vmem>>) semaphore(%arg13 : memref<!tpu.dma_semaphore, #tpu.memory_space<semaphore_mem>>)
        %dma_start3A_72 = arith.constant 1 : i32
        %dma_start3A_73 = arith.constant 0 : i32
        %dma_start3A_74 = tpu.memref_slice %arg6[%dma_start3A_72, %dma_start3A_73] : memref<2x80xi32, #tpu.memory_space<vmem>> -> memref<1x80xi32, #tpu.memory_space<vmem>>
        %dma_start3A_75 = tpu.memref_squeeze %dma_start3A_74 : memref<1x80xi32, #tpu.memory_space<vmem>> -> memref<80xi32, #tpu.memory_space<vmem>>
        %dma_start3A_76 = arith.constant 0 : i32
        %dma_start3A_77 = arith.constant 0 : i32
        %dma_start3A_78 = tpu.memref_slice %arg4[%dma_start3A_76, %dma_start3A_77] : memref<10000x16xf32, #tpu.memory_space<hbm>> -> memref<10000x16xf32, #tpu.memory_space<hbm>>
        tpu.enqueue_indirect_dma source(%dma_start3A_78 : memref<10000x16xf32, #tpu.memory_space<hbm>>) target(%arg10 : memref<80x16xf32, #tpu.memory_space<vmem>>) offsets(%dma_start3A_75 : memref<80xi32, #tpu.memory_space<vmem>>) semaphore(%arg13 : memref<!tpu.dma_semaphore, #tpu.memory_space<semaphore_mem>>)
      } else {
      }
      %lt3A_59 = arith.constant 4000 : i32
      %lt3A_60 = arith.cmpi slt, %add3A_41, %lt3A_59 : i32
      %convert_element_type3A_61 = arith.extui %lt3A_60 : i1 to i32
      %cond3A_62 = arith.constant 0 : i32
      %cond3A_63 = arith.cmpi ne, %convert_element_type3A_61, %cond3A_62 : i32
      scf.if %cond3A_63 {
        %dma_wait3A = arith.constant 0 : i32
        %dma_wait3A_64 = arith.constant 0 : i32
        %dma_wait3A_65 = tpu.memref_slice %arg7[%dma_wait3A, %dma_wait3A_64] : memref<2x80xi32, #tpu.memory_space<vmem>> -> memref<1x80xi32, #tpu.memory_space<vmem>>
        %dma_wait3A_66 = tpu.memref_squeeze %dma_wait3A_65 : memref<1x80xi32, #tpu.memory_space<vmem>> -> memref<80xi32, #tpu.memory_space<vmem>>
        %dma_wait3A_67 = arith.constant 0 : i32
        %dma_wait3A_68 = arith.constant 0 : i32
        %dma_wait3A_69 = tpu.memref_slice %arg2[%dma_wait3A_67, %dma_wait3A_68] : memref<10000x144xf32, #tpu.memory_space<hbm>> -> memref<10000x144xf32, #tpu.memory_space<hbm>>
        tpu.wait_indirect_dma semaphore(%arg14 : memref<!tpu.dma_semaphore, #tpu.memory_space<semaphore_mem>>) src(%dma_wait3A_69 : memref<10000x144xf32, #tpu.memory_space<hbm>>) dst(%arg9 : memref<80x144xf32, #tpu.memory_space<vmem>>)
        %dma_wait3A_70 = arith.constant 1 : i32
        %dma_wait3A_71 = arith.constant 0 : i32
        %dma_wait3A_72 = tpu.memref_slice %arg7[%dma_wait3A_70, %dma_wait3A_71] : memref<2x80xi32, #tpu.memory_space<vmem>> -> memref<1x80xi32, #tpu.memory_space<vmem>>
        %dma_wait3A_73 = tpu.memref_squeeze %dma_wait3A_72 : memref<1x80xi32, #tpu.memory_space<vmem>> -> memref<80xi32, #tpu.memory_space<vmem>>
        %dma_wait3A_74 = arith.constant 0 : i32
        %dma_wait3A_75 = arith.constant 0 : i32
        %dma_wait3A_76 = tpu.memref_slice %arg4[%dma_wait3A_74, %dma_wait3A_75] : memref<10000x16xf32, #tpu.memory_space<hbm>> -> memref<10000x16xf32, #tpu.memory_space<hbm>>
        tpu.wait_indirect_dma semaphore(%arg14 : memref<!tpu.dma_semaphore, #tpu.memory_space<semaphore_mem>>) src(%dma_wait3A_76 : memref<10000x16xf32, #tpu.memory_space<hbm>>) dst(%arg11 : memref<80x16xf32, #tpu.memory_space<vmem>>)
        %scan3A_77 = arith.constant 0 : i32
        %scan3A_78 = arith.constant 80 : i32
        %scan3A_79 = arith.addi %scan3A_77, %scan3A_78 : i32
        %scan3A_80 = arith.constant 1 : i32
        scf.for %scan3A_82 = %scan3A_77 to %scan3A_79 step %scan3A_80  : i32 {
          %mul3A_83 = arith.constant 1 : i32
          %mul3A_84 = arith.muli %scan3A_82, %mul3A_83 : i32
          %add3A_85 = arith.constant 0 : i32
          %add3A_86 = arith.addi %add3A_85, %mul3A_84 : i32
          %get3A = arith.index_cast %add3A_86 : i32 to index
          %get3A_87 = arith.constant 128 : index
          %get3A_88 = tpu.vector_load %arg9[%get3A, %get3A_87] {strides = array<i32>} : memref<80x144xf32, #tpu.memory_space<vmem>>, vector<1x16xf32>,
          %get3A_89 = vector.shape_cast %get3A_88 : vector<1x16xf32> to vector<16xf32>
          %get3A_90 = arith.index_cast %add3A_86 : i32 to index
          %get3A_91 = arith.constant 0 : index
          %get3A_92 = tpu.vector_load %arg11[%get3A_90, %get3A_91] {strides = array<i32>} : memref<80x16xf32, #tpu.memory_space<vmem>>, vector<1x16xf32>,
          %get3A_93 = vector.shape_cast %get3A_92 : vector<1x16xf32> to vector<16xf32>
          %broadcast_in_dim3A = vector.shape_cast %min3A_14 : vector<16xi32> to vector<16x1xi32>
          %gather3A = vector.shape_cast %broadcast_in_dim3A : vector<16x1xi32> to vector<16xi32>
          %gather3A_94 = tpu.dynamic_gather %get3A_93[%gather3A] in [0] : vector<16xf32>, vector<16xi32> -> vector<16xf32>
          %add3A_95 = arith.addf %get3A_89, %gather3A_94 : vector<16xf32>
          %mul3A_96 = arith.constant 2.000000e-01 : f32
          %mul3A_97 = vector.broadcast %mul3A_96 : f32 to vector<16xf32>
          %mul3A_98 = arith.mulf %mul3A_97, %add3A_95 : vector<16xf32>
          %max3A = arith.maximumf %add3A_95, %mul3A_98 : vector<16xf32>
          %exp3A = math.exp %max3A : vector<16xf32>
          %broadcast_in_dim3A_99 = arith.constant 0 : i32
          %broadcast_in_dim3A_100 = vector.broadcast %broadcast_in_dim3A_99 : i32 to vector<16xi32>
          %broadcast_in_dim3A_101 = vector.shape_cast %broadcast_in_dim3A_100 : vector<16xi32> to vector<16x1xi32>
          %gather3A_102 = vector.shape_cast %broadcast_in_dim3A_101 : vector<16x1xi32> to vector<16xi32>
          %gather3A_103 = tpu.dynamic_gather %exp3A[%gather3A_102] in [0] : vector<16xf32>, vector<16xi32> -> vector<16xf32>
          %get3A_104 = arith.index_cast %add3A_86 : i32 to index
          %get3A_105 = arith.constant 0 : index
          %get3A_106 = tpu.vector_load %arg9[%get3A_104, %get3A_105] {strides = array<i32>} : memref<80x144xf32, #tpu.memory_space<vmem>>, vector<1x16xf32>,
          %get3A_107 = vector.shape_cast %get3A_106 : vector<1x16xf32> to vector<16xf32>
          %mul3A_108 = arith.mulf %get3A_107, %gather3A_103 : vector<16xf32>
          %swap3A = arith.index_cast %add3A_86 : i32 to index
          %swap3A_109 = arith.constant 0 : index
          %swap3A_110 = tpu.vector_load %arg9[%swap3A, %swap3A_109] {strides = array<i32>} : memref<80x144xf32, #tpu.memory_space<vmem>>, vector<1x16xf32>,
          %swap3A_111 = vector.shape_cast %swap3A_110 : vector<1x16xf32> to vector<16xf32>
          %swap3A_112 = vector.shape_cast %mul3A_108 : vector<16xf32> to vector<1x16xf32>
          tpu.vector_store %arg9[%swap3A, %swap3A_109], %swap3A_112 {strides = array<i32>} : memref<80x144xf32, #tpu.memory_space<vmem>>, vector<1x16xf32>,
          %get3A_113 = arith.index_cast %add3A_86 : i32 to index
          %get3A_114 = arith.constant 16 : index
          %get3A_115 = tpu.vector_load %arg9[%get3A_113, %get3A_114] {strides = array<i32>} : memref<80x144xf32, #tpu.memory_space<vmem>>, vector<1x16xf32>,
          %get3A_116 = vector.shape_cast %get3A_115 : vector<1x16xf32> to vector<16xf32>
          %mul3A_117 = arith.mulf %get3A_116, %gather3A_103 : vector<16xf32>
          %swap3A_118 = arith.index_cast %add3A_86 : i32 to index
          %swap3A_119 = arith.constant 16 : index
          %swap3A_120 = tpu.vector_load %arg9[%swap3A_118, %swap3A_119] {strides = array<i32>} : memref<80x144xf32, #tpu.memory_space<vmem>>, vector<1x16xf32>,
          %swap3A_121 = vector.shape_cast %swap3A_120 : vector<1x16xf32> to vector<16xf32>
          %swap3A_122 = vector.shape_cast %mul3A_117 : vector<16xf32> to vector<1x16xf32>
          tpu.vector_store %arg9[%swap3A_118, %swap3A_119], %swap3A_122 {strides = array<i32>} : memref<80x144xf32, #tpu.memory_space<vmem>>, vector<1x16xf32>,
          %get3A_123 = arith.index_cast %add3A_86 : i32 to index
          %get3A_124 = arith.constant 32 : index
          %get3A_125 = tpu.vector_load %arg9[%get3A_123, %get3A_124] {strides = array<i32>} : memref<80x144xf32, #tpu.memory_space<vmem>>, vector<1x16xf32>,
          %get3A_126 = vector.shape_cast %get3A_125 : vector<1x16xf32> to vector<16xf32>
          %mul3A_127 = arith.mulf %get3A_126, %gather3A_103 : vector<16xf32>
          %swap3A_128 = arith.index_cast %add3A_86 : i32 to index
          %swap3A_129 = arith.constant 32 : index
          %swap3A_130 = tpu.vector_load %arg9[%swap3A_128, %swap3A_129] {strides = array<i32>} : memref<80x144xf32, #tpu.memory_space<vmem>>, vector<1x16xf32>,
          %swap3A_131 = vector.shape_cast %swap3A_130 : vector<1x16xf32> to vector<16xf32>
          %swap3A_132 = vector.shape_cast %mul3A_127 : vector<16xf32> to vector<1x16xf32>
          tpu.vector_store %arg9[%swap3A_128, %swap3A_129], %swap3A_132 {strides = array<i32>} : memref<80x144xf32, #tpu.memory_space<vmem>>, vector<1x16xf32>,
          %get3A_133 = arith.index_cast %add3A_86 : i32 to index
          %get3A_134 = arith.constant 48 : index
          %get3A_135 = tpu.vector_load %arg9[%get3A_133, %get3A_134] {strides = array<i32>} : memref<80x144xf32, #tpu.memory_space<vmem>>, vector<1x16xf32>,
          %get3A_136 = vector.shape_cast %get3A_135 : vector<1x16xf32> to vector<16xf32>
          %mul3A_137 = arith.mulf %get3A_136, %gather3A_103 : vector<16xf32>
          %swap3A_138 = arith.index_cast %add3A_86 : i32 to index
          %swap3A_139 = arith.constant 48 : index
          %swap3A_140 = tpu.vector_load %arg9[%swap3A_138, %swap3A_139] {strides = array<i32>} : memref<80x144xf32, #tpu.memory_space<vmem>>, vector<1x16xf32>,
          %swap3A_141 = vector.shape_cast %swap3A_140 : vector<1x16xf32> to vector<16xf32>
          %swap3A_142 = vector.shape_cast %mul3A_137 : vector<16xf32> to vector<1x16xf32>
          tpu.vector_store %arg9[%swap3A_138, %swap3A_139], %swap3A_142 {strides = array<i32>} : memref<80x144xf32, #tpu.memory_space<vmem>>, vector<1x16xf32>,
          %broadcast_in_dim3A_143 = arith.constant 1 : i32
          %broadcast_in_dim3A_144 = vector.broadcast %broadcast_in_dim3A_143 : i32 to vector<16xi32>
          %broadcast_in_dim3A_145 = vector.shape_cast %broadcast_in_dim3A_144 : vector<16xi32> to vector<16x1xi32>
          %gather3A_146 = vector.shape_cast %broadcast_in_dim3A_145 : vector<16x1xi32> to vector<16xi32>
          %gather3A_147 = tpu.dynamic_gather %exp3A[%gather3A_146] in [0] : vector<16xf32>, vector<16xi32> -> vector<16xf32>
          %get3A_148 = arith.index_cast %add3A_86 : i32 to index
          %get3A_149 = arith.constant 64 : index
          %get3A_150 = tpu.vector_load %arg9[%get3A_148, %get3A_149] {strides = array<i32>} : memref<80x144xf32, #tpu.memory_space<vmem>>, vector<1x16xf32>,
          %get3A_151 = vector.shape_cast %get3A_150 : vector<1x16xf32> to vector<16xf32>
          %mul3A_152 = arith.mulf %get3A_151, %gather3A_147 : vector<16xf32>
          %swap3A_153 = arith.index_cast %add3A_86 : i32 to index
          %swap3A_154 = arith.constant 64 : index
          %swap3A_155 = tpu.vector_load %arg9[%swap3A_153, %swap3A_154] {strides = array<i32>} : memref<80x144xf32, #tpu.memory_space<vmem>>, vector<1x16xf32>,
          %swap3A_156 = vector.shape_cast %swap3A_155 : vector<1x16xf32> to vector<16xf32>
          %swap3A_157 = vector.shape_cast %mul3A_152 : vector<16xf32> to vector<1x16xf32>
          tpu.vector_store %arg9[%swap3A_153, %swap3A_154], %swap3A_157 {strides = array<i32>} : memref<80x144xf32, #tpu.memory_space<vmem>>, vector<1x16xf32>,
          %get3A_158 = arith.index_cast %add3A_86 : i32 to index
          %get3A_159 = arith.constant 80 : index
          %get3A_160 = tpu.vector_load %arg9[%get3A_158, %get3A_159] {strides = array<i32>} : memref<80x144xf32, #tpu.memory_space<vmem>>, vector<1x16xf32>,
          %get3A_161 = vector.shape_cast %get3A_160 : vector<1x16xf32> to vector<16xf32>
          %mul3A_162 = arith.mulf %get3A_161, %gather3A_147 : vector<16xf32>
          %swap3A_163 = arith.index_cast %add3A_86 : i32 to index
          %swap3A_164 = arith.constant 80 : index
          %swap3A_165 = tpu.vector_load %arg9[%swap3A_163, %swap3A_164] {strides = array<i32>} : memref<80x144xf32, #tpu.memory_space<vmem>>, vector<1x16xf32>,
          %swap3A_166 = vector.shape_cast %swap3A_165 : vector<1x16xf32> to vector<16xf32>
          %swap3A_167 = vector.shape_cast %mul3A_162 : vector<16xf32> to vector<1x16xf32>
          tpu.vector_store %arg9[%swap3A_163, %swap3A_164], %swap3A_167 {strides = array<i32>} : memref<80x144xf32, #tpu.memory_space<vmem>>, vector<1x16xf32>,
          %get3A_168 = arith.index_cast %add3A_86 : i32 to index
          %get3A_169 = arith.constant 96 : index
          %get3A_170 = tpu.vector_load %arg9[%get3A_168, %get3A_169] {strides = array<i32>} : memref<80x144xf32, #tpu.memory_space<vmem>>, vector<1x16xf32>,
          %get3A_171 = vector.shape_cast %get3A_170 : vector<1x16xf32> to vector<16xf32>
          %mul3A_172 = arith.mulf %get3A_171, %gather3A_147 : vector<16xf32>
          %swap3A_173 = arith.index_cast %add3A_86 : i32 to index
          %swap3A_174 = arith.constant 96 : index
          %swap3A_175 = tpu.vector_load %arg9[%swap3A_173, %swap3A_174] {strides = array<i32>} : memref<80x144xf32, #tpu.memory_space<vmem>>, vector<1x16xf32>,
          %swap3A_176 = vector.shape_cast %swap3A_175 : vector<1x16xf32> to vector<16xf32>
          %swap3A_177 = vector.shape_cast %mul3A_172 : vector<16xf32> to vector<1x16xf32>
          tpu.vector_store %arg9[%swap3A_173, %swap3A_174], %swap3A_177 {strides = array<i32>} : memref<80x144xf32, #tpu.memory_space<vmem>>, vector<1x16xf32>,
          %get3A_178 = arith.index_cast %add3A_86 : i32 to index
          %get3A_179 = arith.constant 112 : index
          %get3A_180 = tpu.vector_load %arg9[%get3A_178, %get3A_179] {strides = array<i32>} : memref<80x144xf32, #tpu.memory_space<vmem>>, vector<1x16xf32>,
          %get3A_181 = vector.shape_cast %get3A_180 : vector<1x16xf32> to vector<16xf32>
          %mul3A_182 = arith.mulf %get3A_181, %gather3A_147 : vector<16xf32>
          %swap3A_183 = arith.index_cast %add3A_86 : i32 to index
          %swap3A_184 = arith.constant 112 : index
          %swap3A_185 = tpu.vector_load %arg9[%swap3A_183, %swap3A_184] {strides = array<i32>} : memref<80x144xf32, #tpu.memory_space<vmem>>, vector<1x16xf32>,
          %swap3A_186 = vector.shape_cast %swap3A_185 : vector<1x16xf32> to vector<16xf32>
          %swap3A_187 = vector.shape_cast %mul3A_182 : vector<16xf32> to vector<1x16xf32>
          tpu.vector_store %arg9[%swap3A_183, %swap3A_184], %swap3A_187 {strides = array<i32>} : memref<80x144xf32, #tpu.memory_space<vmem>>, vector<1x16xf32>,
          %jit3A = arith.constant 0.000000e+00 : f32
          %broadcast_in_dim3A_188 = vector.broadcast %jit3A : f32 to vector<16xf32>
          %select_n3A = arith.select %lt3A_16, %exp3A, %broadcast_in_dim3A_188 : vector<16xi1>, vector<16xf32>
          %swap3A_189 = arith.index_cast %add3A_86 : i32 to index
          %swap3A_190 = arith.constant 128 : index
          %swap3A_191 = tpu.vector_load %arg9[%swap3A_189, %swap3A_190] {strides = array<i32>} : memref<80x144xf32, #tpu.memory_space<vmem>>, vector<1x16xf32>,
          %swap3A_192 = vector.shape_cast %swap3A_191 : vector<1x16xf32> to vector<16xf32>
          %swap3A_193 = vector.shape_cast %select_n3A : vector<16xf32> to vector<1x16xf32>
          tpu.vector_store %arg9[%swap3A_189, %swap3A_190], %swap3A_193 {strides = array<i32>} : memref<80x144xf32, #tpu.memory_space<vmem>>, vector<1x16xf32>,
        }
        %scan3A_81 = arith.constant 80 : i32
        %run_scoped3A = arith.constant 1 : i32
        "tpu.region"() ({
          %run_scoped3A_82 = tpu.sem_alloc : memref<!tpu.dma_semaphore, #tpu.memory_space<semaphore_mem>>
          %dma_start3A = arith.constant 0 : i32
          %dma_start3A_83 = tpu.memref_slice %arg7[%run_scoped3A, %dma_start3A] : memref<2x80xi32, #tpu.memory_space<vmem>> -> memref<1x80xi32, #tpu.memory_space<vmem>>
          %dma_start3A_84 = tpu.memref_squeeze %dma_start3A_83 : memref<1x80xi32, #tpu.memory_space<vmem>> -> memref<80xi32, #tpu.memory_space<vmem>>
          %dma_start3A_85 = arith.constant 0 : i32
          %dma_start3A_86 = arith.constant 0 : i32
          %dma_start3A_87 = tpu.memref_slice %arg12[%dma_start3A_85, %dma_start3A_86] : memref<10000x144xf32, #tpu.memory_space<vmem_shared>> -> memref<10000x144xf32, #tpu.memory_space<vmem_shared>>
          tpu.enqueue_indirect_dma source(%arg9 : memref<80x144xf32, #tpu.memory_space<vmem>>) target(%dma_start3A_87 : memref<10000x144xf32, #tpu.memory_space<vmem_shared>>) offsets(%dma_start3A_84 : memref<80xi32, #tpu.memory_space<vmem>>) semaphore(%run_scoped3A_82 : memref<!tpu.dma_semaphore, #tpu.memory_space<semaphore_mem>>) {add = true}
          %dma_wait3A_88 = arith.constant 0 : i32
          %dma_wait3A_89 = tpu.memref_slice %arg7[%run_scoped3A, %dma_wait3A_88] : memref<2x80xi32, #tpu.memory_space<vmem>> -> memref<1x80xi32, #tpu.memory_space<vmem>>
          %dma_wait3A_90 = tpu.memref_squeeze %dma_wait3A_89 : memref<1x80xi32, #tpu.memory_space<vmem>> -> memref<80xi32, #tpu.memory_space<vmem>>
          %dma_wait3A_91 = arith.constant 0 : i32
          %dma_wait3A_92 = arith.constant 0 : i32
          %dma_wait3A_93 = tpu.memref_slice %arg12[%dma_wait3A_91, %dma_wait3A_92] : memref<10000x144xf32, #tpu.memory_space<vmem_shared>> -> memref<10000x144xf32, #tpu.memory_space<vmem_shared>>
          tpu.wait_indirect_dma semaphore(%run_scoped3A_82 : memref<!tpu.dma_semaphore, #tpu.memory_space<semaphore_mem>>) src(%arg9 : memref<80x144xf32, #tpu.memory_space<vmem>>) dst(%dma_wait3A_93 : memref<10000x144xf32, #tpu.memory_space<vmem_shared>>)
          tpu.yield
        }) : () -> ()
      } else {
      }
    }
    %scan3A_24 = arith.constant 63 : i32
    %barrier3A_25 = arith.constant 0 : index
    tpu.barrier barrier_id(%barrier3A_25)
    %mul3A_26 = arith.constant 625 : i32
    %mul3A_27 = arith.muli %arg1, %mul3A_26 : i32
    %mul3A_28 = arith.constant 625 : i32
    %mul3A_29 = arith.muli %arg1, %mul3A_28 : i32
    "tpu.region"() ({
      %run_scoped3A = tpu.sem_alloc : memref<!tpu.dma_semaphore, #tpu.memory_space<semaphore_mem>>
      %dma_start3A = arith.constant 0 : i32
      %dma_start3A_30 = tpu.memref_slice %arg5[%arg0, %mul3A_29, %dma_start3A] : memref<2x10000x144xf32, #tpu.memory_space<hbm>> -> memref<1x625x144xf32, #tpu.memory_space<hbm>>
      %dma_start3A_31 = tpu.memref_squeeze %dma_start3A_30 : memref<1x625x144xf32, #tpu.memory_space<hbm>> -> memref<625x144xf32, #tpu.memory_space<hbm>>
      %dma_start3A_32 = arith.constant 0 : i32
      %dma_start3A_33 = tpu.memref_slice %arg12[%mul3A_27, %dma_start3A_32] : memref<10000x144xf32, #tpu.memory_space<vmem_shared>> -> memref<625x144xf32, #tpu.memory_space<vmem_shared>>
      tpu.enqueue_dma source(%dma_start3A_33 : memref<625x144xf32, #tpu.memory_space<vmem_shared>>) target(%dma_start3A_31 : memref<625x144xf32, #tpu.memory_space<hbm>>) target_semaphore(%run_scoped3A : memref<!tpu.dma_semaphore, #tpu.memory_space<semaphore_mem>>)
      %dma_wait3A = arith.constant 0 : i32
      %dma_wait3A_34 = tpu.memref_slice %arg5[%arg0, %mul3A_29, %dma_wait3A] : memref<2x10000x144xf32, #tpu.memory_space<hbm>> -> memref<1x625x144xf32, #tpu.memory_space<hbm>>
      %dma_wait3A_35 = tpu.memref_squeeze %dma_wait3A_34 : memref<1x625x144xf32, #tpu.memory_space<hbm>> -> memref<625x144xf32, #tpu.memory_space<hbm>>
      %dma_wait3A_36 = arith.constant 0 : i32
      %dma_wait3A_37 = tpu.memref_slice %arg12[%mul3A_27, %dma_wait3A_36] : memref<10000x144xf32, #tpu.memory_space<vmem_shared>> -> memref<625x144xf32, #tpu.memory_space<vmem_shared>>
      tpu.wait_dma2 semaphore(%run_scoped3A : memref<!tpu.dma_semaphore, #tpu.memory_space<semaphore_mem>>) src(%dma_wait3A_37 : memref<625x144xf32, #tpu.memory_space<vmem_shared>>) dst(%dma_wait3A_35 : memref<625x144xf32, #tpu.memory_space<hbm>>)
      tpu.yield
    }) : () -> ()
    return
  }
}

module attributes {stable_mosaic.version = 14 : i64} {
  func.func @body(%arg0: i32, %arg1: memref<1000x128xf32, #tpu.memory_space<vmem>>, %arg2: memref<128x128xf32, #tpu.memory_space<vmem>>, %arg3: memref<2x64xf32, #tpu.memory_space<vmem>>, %arg4: memref<2x64xf32, #tpu.memory_space<vmem>>, %arg5: memref<1000x144xf32, #tpu.memory_space<vmem>>, %arg6: memref<1000x16xf32, #tpu.memory_space<vmem>>) attributes {dimension_semantics = [#tpu.dimension_semantics<arbitrary>], iteration_bounds = array<i64: 10>, scalar_prefetch = 0 : i64, scratch_operands = 0 : i64, tpu.core_type = #tpu.core_type<tc>, window_params = [{transform_indices = @transform_0, window_bounds = array<i64: 1000, 128>}, {pipeline_mode = #tpu.pipeline_mode<synchronous>, transform_indices = @transform_1, window_bounds = array<i64: 128, 128>}, {pipeline_mode = #tpu.pipeline_mode<synchronous>, transform_indices = @transform_2, window_bounds = array<i64: 2, 64>}, {pipeline_mode = #tpu.pipeline_mode<synchronous>, transform_indices = @transform_3, window_bounds = array<i64: 2, 64>}, {transform_indices = @transform_4, window_bounds = array<i64: 1000, 144>}, {transform_indices = @transform_5, window_bounds = array<i64: 1000, 16>}]} {
    %get3A = arith.constant 0 : index
    %get3A_0 = arith.constant 0 : index
    %get3A_1 = vector.load %arg1[%get3A, %get3A_0] : memref<1000x128xf32, #tpu.memory_space<vmem>>, vector<1000x128xf32>
    %get3A_2 = arith.constant 0 : index
    %get3A_3 = arith.constant 0 : index
    %get3A_4 = vector.load %arg2[%get3A_2, %get3A_3] : memref<128x128xf32, #tpu.memory_space<vmem>>, vector<128x128xf32>
    %dot_general3A = arith.constant dense<0.000000e+00> : vector<1000x128xf32>
    %dot_general3A_5 = tpu.matmul %get3A_1, %get3A_4, %dot_general3A {dimension_numbers = #tpu.dot_dimension_numbers<[1], [0], [0], [1], [0, 0, 1, 1], [], []>, transpose_lhs_hint = false} : vector<1000x128xf32>, vector<128x128xf32>, vector<1000x128xf32> -> vector<1000x128xf32>
    %slice3A = vector.extract_strided_slice %dot_general3A_5 {offsets = [0, 0], sizes = [1000, 64], strides = [1, 1]} : vector<1000x128xf32> to vector<1000x64xf32>
    %get3A_6 = arith.constant 0 : index
    %get3A_7 = arith.constant 0 : index
    %get3A_8 = vector.load %arg3[%get3A_6, %get3A_7] : memref<2x64xf32, #tpu.memory_space<vmem>>, vector<1x64xf32>
    %get3A_9 = vector.shape_cast %get3A_8 : vector<1x64xf32> to vector<64xf32>
    %broadcast_in_dim3A = vector.shape_cast %get3A_9 : vector<64xf32> to vector<1x64xf32>
    %mul3A = vector.broadcast %broadcast_in_dim3A : vector<1x64xf32> to vector<1000x64xf32>
    %mul3A_10 = arith.mulf %slice3A, %mul3A : vector<1000x64xf32>
    %reduce_sum3A = arith.constant dense<0.000000e+00> : vector<1000xf32>
    %reduce_sum3A_11 = vector.multi_reduction <add>, %mul3A_10, %reduce_sum3A [1] : vector<1000x64xf32> to vector<1000xf32>
    %slice3A_12 = vector.extract_strided_slice %dot_general3A_5 {offsets = [0, 64], sizes = [1000, 64], strides = [1, 1]} : vector<1000x128xf32> to vector<1000x64xf32>
    %get3A_13 = arith.constant 1 : index
    %get3A_14 = arith.constant 0 : index
    %get3A_15 = vector.load %arg3[%get3A_13, %get3A_14] : memref<2x64xf32, #tpu.memory_space<vmem>>, vector<1x64xf32>
    %get3A_16 = vector.shape_cast %get3A_15 : vector<1x64xf32> to vector<64xf32>
    %broadcast_in_dim3A_17 = vector.shape_cast %get3A_16 : vector<64xf32> to vector<1x64xf32>
    %mul3A_18 = vector.broadcast %broadcast_in_dim3A_17 : vector<1x64xf32> to vector<1000x64xf32>
    %mul3A_19 = arith.mulf %slice3A_12, %mul3A_18 : vector<1000x64xf32>
    %reduce_sum3A_20 = arith.constant dense<0.000000e+00> : vector<1000xf32>
    %reduce_sum3A_21 = vector.multi_reduction <add>, %mul3A_19, %reduce_sum3A_20 [1] : vector<1000x64xf32> to vector<1000xf32>
    %slice3A_22 = vector.extract_strided_slice %dot_general3A_5 {offsets = [0, 0], sizes = [1000, 64], strides = [1, 1]} : vector<1000x128xf32> to vector<1000x64xf32>
    %get3A_23 = arith.constant 0 : index
    %get3A_24 = arith.constant 0 : index
    %get3A_25 = vector.load %arg4[%get3A_23, %get3A_24] : memref<2x64xf32, #tpu.memory_space<vmem>>, vector<1x64xf32>
    %get3A_26 = vector.shape_cast %get3A_25 : vector<1x64xf32> to vector<64xf32>
    %broadcast_in_dim3A_27 = vector.shape_cast %get3A_26 : vector<64xf32> to vector<1x64xf32>
    %mul3A_28 = vector.broadcast %broadcast_in_dim3A_27 : vector<1x64xf32> to vector<1000x64xf32>
    %mul3A_29 = arith.mulf %slice3A_22, %mul3A_28 : vector<1000x64xf32>
    %reduce_sum3A_30 = arith.constant dense<0.000000e+00> : vector<1000xf32>
    %reduce_sum3A_31 = vector.multi_reduction <add>, %mul3A_29, %reduce_sum3A_30 [1] : vector<1000x64xf32> to vector<1000xf32>
    %slice3A_32 = vector.extract_strided_slice %dot_general3A_5 {offsets = [0, 64], sizes = [1000, 64], strides = [1, 1]} : vector<1000x128xf32> to vector<1000x64xf32>
    %get3A_33 = arith.constant 1 : index
    %get3A_34 = arith.constant 0 : index
    %get3A_35 = vector.load %arg4[%get3A_33, %get3A_34] : memref<2x64xf32, #tpu.memory_space<vmem>>, vector<1x64xf32>
    %get3A_36 = vector.shape_cast %get3A_35 : vector<1x64xf32> to vector<64xf32>
    %broadcast_in_dim3A_37 = vector.shape_cast %get3A_36 : vector<64xf32> to vector<1x64xf32>
    %mul3A_38 = vector.broadcast %broadcast_in_dim3A_37 : vector<1x64xf32> to vector<1000x64xf32>
    %mul3A_39 = arith.mulf %slice3A_32, %mul3A_38 : vector<1000x64xf32>
    %reduce_sum3A_40 = arith.constant dense<0.000000e+00> : vector<1000xf32>
    %reduce_sum3A_41 = vector.multi_reduction <add>, %mul3A_39, %reduce_sum3A_40 [1] : vector<1000x64xf32> to vector<1000xf32>
    %stack3A = vector.shape_cast %reduce_sum3A_11 : vector<1000xf32> to vector<1000x1xf32>
    %stack3A_42 = vector.shape_cast %reduce_sum3A_21 : vector<1000xf32> to vector<1000x1xf32>
    %stack3A_43 = vector.shape_cast %reduce_sum3A_31 : vector<1000xf32> to vector<1000x1xf32>
    %stack3A_44 = vector.shape_cast %reduce_sum3A_41 : vector<1000xf32> to vector<1000x1xf32>
    %stack3A_45 = tpu.concatenate %stack3A, %stack3A_42, %stack3A_43, %stack3A_44 in 1 : vector<1000x1xf32>, vector<1000x1xf32>, vector<1000x1xf32>, vector<1000x1xf32> -> vector<1000x4xf32>
    %broadcast_in_dim3A_46 = arith.constant 0.000000e+00 : f32
    %broadcast_in_dim3A_47 = vector.broadcast %broadcast_in_dim3A_46 : f32 to vector<1000x12xf32>
    %concatenate3A = tpu.concatenate %stack3A_45, %broadcast_in_dim3A_47 in 1 : vector<1000x4xf32>, vector<1000x12xf32> -> vector<1000x16xf32>
    %concatenate3A_48 = tpu.concatenate %dot_general3A_5, %concatenate3A in 1 : vector<1000x128xf32>, vector<1000x16xf32> -> vector<1000x144xf32>
    %swap3A = arith.constant 0 : index
    %swap3A_49 = arith.constant 0 : index
    %swap3A_50 = vector.load %arg5[%swap3A, %swap3A_49] : memref<1000x144xf32, #tpu.memory_space<vmem>>, vector<1000x144xf32>
    tpu.vector_store %arg5[%swap3A, %swap3A_49], %concatenate3A_48 {strides = array<i32>} : memref<1000x144xf32, #tpu.memory_space<vmem>>, vector<1000x144xf32>,
    %swap3A_51 = arith.constant 0 : index
    %swap3A_52 = arith.constant 0 : index
    %swap3A_53 = vector.load %arg6[%swap3A_51, %swap3A_52] : memref<1000x16xf32, #tpu.memory_space<vmem>>, vector<1000x16xf32>
    tpu.vector_store %arg6[%swap3A_51, %swap3A_52], %concatenate3A {strides = array<i32>} : memref<1000x16xf32, #tpu.memory_space<vmem>>, vector<1000x16xf32>,
    return
  }
  func.func @transform_0(%arg0: i32) -> (i32, i32) {
    %c0_i32 = arith.constant 0 : i32
    %c0_i32_0 = arith.constant 0 : i32
    return %arg0, %c0_i32 : i32, i32
  }
  func.func @transform_1(%arg0: i32) -> (i32, i32) {
    %c0_i32 = arith.constant 0 : i32
    %c0_i32_0 = arith.constant 0 : i32
    %c0_i32_1 = arith.constant 0 : i32
    return %c0_i32, %c0_i32_0 : i32, i32
  }
  func.func @transform_2(%arg0: i32) -> (i32, i32) {
    %c0_i32 = arith.constant 0 : i32
    %c0_i32_0 = arith.constant 0 : i32
    %c0_i32_1 = arith.constant 0 : i32
    return %c0_i32, %c0_i32_0 : i32, i32
  }
  func.func @transform_3(%arg0: i32) -> (i32, i32) {
    %c0_i32 = arith.constant 0 : i32
    %c0_i32_0 = arith.constant 0 : i32
    %c0_i32_1 = arith.constant 0 : i32
    return %c0_i32, %c0_i32_0 : i32, i32
  }
  func.func @transform_4(%arg0: i32) -> (i32, i32) {
    %c0_i32 = arith.constant 0 : i32
    %c0_i32_0 = arith.constant 0 : i32
    return %arg0, %c0_i32 : i32, i32
  }
  func.func @transform_5(%arg0: i32) -> (i32, i32) {
    %c0_i32 = arith.constant 0 : i32
    %c0_i32_0 = arith.constant 0 : i32
    return %arg0, %c0_i32 : i32, i32
  }
}

module attributes {stable_mosaic.version = 14 : i64} {
  func.func @body(%arg0: i32, %arg1: memref<2x1000x144xf32, #tpu.memory_space<vmem>>, %arg2: memref<1x128xf32, #tpu.memory_space<vmem>>, %arg3: memref<128x64xf32, #tpu.memory_space<vmem>>, %arg4: memref<1x64xf32, #tpu.memory_space<vmem>>, %arg5: memref<1x64xf32, #tpu.memory_space<vmem>>, %arg6: memref<1000x80xf32, #tpu.memory_space<vmem>>, %arg7: memref<1000x16xf32, #tpu.memory_space<vmem>>) attributes {dimension_semantics = [#tpu.dimension_semantics<arbitrary>], iteration_bounds = array<i64: 10>, scalar_prefetch = 0 : i64, scratch_operands = 0 : i64, tpu.core_type = #tpu.core_type<tc>, window_params = [{transform_indices = @transform_0, window_bounds = array<i64: 2, 1000, 144>}, {pipeline_mode = #tpu.pipeline_mode<synchronous>, transform_indices = @transform_1, window_bounds = array<i64: 1, 128>}, {pipeline_mode = #tpu.pipeline_mode<synchronous>, transform_indices = @transform_2, window_bounds = array<i64: 128, 64>}, {pipeline_mode = #tpu.pipeline_mode<synchronous>, transform_indices = @transform_3, window_bounds = array<i64: 1, 64>}, {pipeline_mode = #tpu.pipeline_mode<synchronous>, transform_indices = @transform_4, window_bounds = array<i64: 1, 64>}, {transform_indices = @transform_5, window_bounds = array<i64: 1000, 80>}, {transform_indices = @transform_6, window_bounds = array<i64: 1000, 16>}]} {
    %get3A = arith.constant 0 : index
    %get3A_0 = arith.constant 0 : index
    %get3A_1 = arith.constant 0 : index
    %get3A_2 = vector.load %arg1[%get3A, %get3A_0, %get3A_1] : memref<2x1000x144xf32, #tpu.memory_space<vmem>>, vector<1x1000x144xf32>
    %get3A_3 = vector.shape_cast %get3A_2 : vector<1x1000x144xf32> to vector<1000x144xf32>
    %get3A_4 = arith.constant 1 : index
    %get3A_5 = arith.constant 0 : index
    %get3A_6 = arith.constant 0 : index
    %get3A_7 = vector.load %arg1[%get3A_4, %get3A_5, %get3A_6] : memref<2x1000x144xf32, #tpu.memory_space<vmem>>, vector<1x1000x144xf32>
    %get3A_8 = vector.shape_cast %get3A_7 : vector<1x1000x144xf32> to vector<1000x144xf32>
    %add3A = arith.addf %get3A_3, %get3A_8 : vector<1000x144xf32>
    %slice3A = vector.extract_strided_slice %add3A {offsets = [0, 0], sizes = [1000, 64], strides = [1, 1]} : vector<1000x144xf32> to vector<1000x64xf32>
    %slice3A_9 = vector.extract_strided_slice %add3A {offsets = [0, 128], sizes = [1000, 1], strides = [1, 1]} : vector<1000x144xf32> to vector<1000x1xf32>
    %add3A_10 = arith.constant 1.000000e-16 : f32
    %add3A_11 = vector.broadcast %add3A_10 : f32 to vector<1000x1xf32>
    %add3A_12 = arith.addf %slice3A_9, %add3A_11 : vector<1000x1xf32>
    %div3A = vector.broadcast %add3A_12 : vector<1000x1xf32> to vector<1000x64xf32>
    %div3A_13 = arith.divf %slice3A, %div3A : vector<1000x64xf32>
    %slice3A_14 = vector.extract_strided_slice %add3A {offsets = [0, 64], sizes = [1000, 64], strides = [1, 1]} : vector<1000x144xf32> to vector<1000x64xf32>
    %slice3A_15 = vector.extract_strided_slice %add3A {offsets = [0, 129], sizes = [1000, 1], strides = [1, 1]} : vector<1000x144xf32> to vector<1000x1xf32>
    %add3A_16 = arith.constant 1.000000e-16 : f32
    %add3A_17 = vector.broadcast %add3A_16 : f32 to vector<1000x1xf32>
    %add3A_18 = arith.addf %slice3A_15, %add3A_17 : vector<1000x1xf32>
    %div3A_19 = vector.broadcast %add3A_18 : vector<1000x1xf32> to vector<1000x64xf32>
    %div3A_20 = arith.divf %slice3A_14, %div3A_19 : vector<1000x64xf32>
    %concatenate3A = tpu.concatenate %div3A_13, %div3A_20 in 1 : vector<1000x64xf32>, vector<1000x64xf32> -> vector<1000x128xf32>
    %get3A_21 = arith.constant 0 : index
    %get3A_22 = arith.constant 0 : index
    %get3A_23 = vector.load %arg2[%get3A_21, %get3A_22] : memref<1x128xf32, #tpu.memory_space<vmem>>, vector<1x128xf32>
    %add3A_24 = vector.broadcast %get3A_23 : vector<1x128xf32> to vector<1000x128xf32>
    %add3A_25 = arith.addf %concatenate3A, %add3A_24 : vector<1000x128xf32>
    %max3A = arith.constant 0.000000e+00 : f32
    %max3A_26 = vector.broadcast %max3A : f32 to vector<1000x128xf32>
    %max3A_27 = arith.maximumf %add3A_25, %max3A_26 : vector<1000x128xf32>
    %get3A_28 = arith.constant 0 : index
    %get3A_29 = arith.constant 0 : index
    %get3A_30 = vector.load %arg3[%get3A_28, %get3A_29] : memref<128x64xf32, #tpu.memory_space<vmem>>, vector<128x64xf32>
    %dot_general3A = arith.constant dense<0.000000e+00> : vector<1000x64xf32>
    %dot_general3A_31 = tpu.matmul %max3A_27, %get3A_30, %dot_general3A {dimension_numbers = #tpu.dot_dimension_numbers<[1], [0], [0], [1], [0, 0, 1, 1], [], []>, transpose_lhs_hint = false} : vector<1000x128xf32>, vector<128x64xf32>, vector<1000x64xf32> -> vector<1000x64xf32>
    %get3A_32 = arith.constant 0 : index
    %get3A_33 = arith.constant 0 : index
    %get3A_34 = vector.load %arg4[%get3A_32, %get3A_33] : memref<1x64xf32, #tpu.memory_space<vmem>>, vector<1x64xf32>
    %get3A_35 = vector.shape_cast %get3A_34 : vector<1x64xf32> to vector<64xf32>
    %broadcast_in_dim3A = vector.shape_cast %get3A_35 : vector<64xf32> to vector<1x64xf32>
    %mul3A = vector.broadcast %broadcast_in_dim3A : vector<1x64xf32> to vector<1000x64xf32>
    %mul3A_36 = arith.mulf %dot_general3A_31, %mul3A : vector<1000x64xf32>
    %reduce_sum3A = arith.constant dense<0.000000e+00> : vector<1000xf32>
    %reduce_sum3A_37 = vector.multi_reduction <add>, %mul3A_36, %reduce_sum3A [1] : vector<1000x64xf32> to vector<1000xf32>
    %get3A_38 = arith.constant 0 : index
    %get3A_39 = arith.constant 0 : index
    %get3A_40 = vector.load %arg5[%get3A_38, %get3A_39] : memref<1x64xf32, #tpu.memory_space<vmem>>, vector<1x64xf32>
    %get3A_41 = vector.shape_cast %get3A_40 : vector<1x64xf32> to vector<64xf32>
    %broadcast_in_dim3A_42 = vector.shape_cast %get3A_41 : vector<64xf32> to vector<1x64xf32>
    %mul3A_43 = vector.broadcast %broadcast_in_dim3A_42 : vector<1x64xf32> to vector<1000x64xf32>
    %mul3A_44 = arith.mulf %dot_general3A_31, %mul3A_43 : vector<1000x64xf32>
    %reduce_sum3A_45 = arith.constant dense<0.000000e+00> : vector<1000xf32>
    %reduce_sum3A_46 = vector.multi_reduction <add>, %mul3A_44, %reduce_sum3A_45 [1] : vector<1000x64xf32> to vector<1000xf32>
    %stack3A = vector.shape_cast %reduce_sum3A_37 : vector<1000xf32> to vector<1000x1xf32>
    %stack3A_47 = vector.shape_cast %reduce_sum3A_46 : vector<1000xf32> to vector<1000x1xf32>
    %stack3A_48 = tpu.concatenate %stack3A, %stack3A_47 in 1 : vector<1000x1xf32>, vector<1000x1xf32> -> vector<1000x2xf32>
    %broadcast_in_dim3A_49 = arith.constant 0.000000e+00 : f32
    %broadcast_in_dim3A_50 = vector.broadcast %broadcast_in_dim3A_49 : f32 to vector<1000x14xf32>
    %concatenate3A_51 = tpu.concatenate %stack3A_48, %broadcast_in_dim3A_50 in 1 : vector<1000x2xf32>, vector<1000x14xf32> -> vector<1000x16xf32>
    %concatenate3A_52 = tpu.concatenate %dot_general3A_31, %concatenate3A_51 in 1 : vector<1000x64xf32>, vector<1000x16xf32> -> vector<1000x80xf32>
    %swap3A = arith.constant 0 : index
    %swap3A_53 = arith.constant 0 : index
    %swap3A_54 = vector.load %arg6[%swap3A, %swap3A_53] : memref<1000x80xf32, #tpu.memory_space<vmem>>, vector<1000x80xf32>
    tpu.vector_store %arg6[%swap3A, %swap3A_53], %concatenate3A_52 {strides = array<i32>} : memref<1000x80xf32, #tpu.memory_space<vmem>>, vector<1000x80xf32>,
    %swap3A_55 = arith.constant 0 : index
    %swap3A_56 = arith.constant 0 : index
    %swap3A_57 = vector.load %arg7[%swap3A_55, %swap3A_56] : memref<1000x16xf32, #tpu.memory_space<vmem>>, vector<1000x16xf32>
    tpu.vector_store %arg7[%swap3A_55, %swap3A_56], %concatenate3A_51 {strides = array<i32>} : memref<1000x16xf32, #tpu.memory_space<vmem>>, vector<1000x16xf32>,
    return
  }
  func.func @transform_0(%arg0: i32) -> (i32, i32, i32) {
    %c0_i32 = arith.constant 0 : i32
    %c0_i32_0 = arith.constant 0 : i32
    %c0_i32_1 = arith.constant 0 : i32
    return %c0_i32, %arg0, %c0_i32_0 : i32, i32, i32
  }
  func.func @transform_1(%arg0: i32) -> (i32, i32) {
    %c0_i32 = arith.constant 0 : i32
    %c0_i32_0 = arith.constant 0 : i32
    %c0_i32_1 = arith.constant 0 : i32
    return %c0_i32, %c0_i32_0 : i32, i32
  }
  func.func @transform_2(%arg0: i32) -> (i32, i32) {
    %c0_i32 = arith.constant 0 : i32
    %c0_i32_0 = arith.constant 0 : i32
    %c0_i32_1 = arith.constant 0 : i32
    return %c0_i32, %c0_i32_0 : i32, i32
  }
  func.func @transform_3(%arg0: i32) -> (i32, i32) {
    %c0_i32 = arith.constant 0 : i32
    %c0_i32_0 = arith.constant 0 : i32
    %c0_i32_1 = arith.constant 0 : i32
    return %c0_i32, %c0_i32_0 : i32, i32
  }
  func.func @transform_4(%arg0: i32) -> (i32, i32) {
    %c0_i32 = arith.constant 0 : i32
    %c0_i32_0 = arith.constant 0 : i32
    %c0_i32_1 = arith.constant 0 : i32
    return %c0_i32, %c0_i32_0 : i32, i32
  }
  func.func @transform_5(%arg0: i32) -> (i32, i32) {
    %c0_i32 = arith.constant 0 : i32
    %c0_i32_0 = arith.constant 0 : i32
    return %arg0, %c0_i32 : i32, i32
  }
  func.func @transform_6(%arg0: i32) -> (i32, i32) {
    %c0_i32 = arith.constant 0 : i32
    %c0_i32_0 = arith.constant 0 : i32
    return %arg0, %c0_i32 : i32, i32
  }
}

module attributes {stable_mosaic.version = 14 : i64} {
  func.func @body(%arg0: i32, %arg1: memref<2x1000x80xf32, #tpu.memory_space<vmem>>, %arg2: memref<1x64xf32, #tpu.memory_space<vmem>>, %arg3: memref<1000x64xf32, #tpu.memory_space<vmem>>) attributes {dimension_semantics = [#tpu.dimension_semantics<arbitrary>], iteration_bounds = array<i64: 10>, scalar_prefetch = 0 : i64, scratch_operands = 0 : i64, tpu.core_type = #tpu.core_type<tc>, window_params = [{transform_indices = @transform_0, window_bounds = array<i64: 2, 1000, 80>}, {pipeline_mode = #tpu.pipeline_mode<synchronous>, transform_indices = @transform_1, window_bounds = array<i64: 1, 64>}, {transform_indices = @transform_2, window_bounds = array<i64: 1000, 64>}]} {
    %get3A = arith.constant 0 : index
    %get3A_0 = arith.constant 0 : index
    %get3A_1 = arith.constant 0 : index
    %get3A_2 = vector.load %arg1[%get3A, %get3A_0, %get3A_1] : memref<2x1000x80xf32, #tpu.memory_space<vmem>>, vector<1x1000x80xf32>
    %get3A_3 = vector.shape_cast %get3A_2 : vector<1x1000x80xf32> to vector<1000x80xf32>
    %get3A_4 = arith.constant 1 : index
    %get3A_5 = arith.constant 0 : index
    %get3A_6 = arith.constant 0 : index
    %get3A_7 = vector.load %arg1[%get3A_4, %get3A_5, %get3A_6] : memref<2x1000x80xf32, #tpu.memory_space<vmem>>, vector<1x1000x80xf32>
    %get3A_8 = vector.shape_cast %get3A_7 : vector<1x1000x80xf32> to vector<1000x80xf32>
    %add3A = arith.addf %get3A_3, %get3A_8 : vector<1000x80xf32>
    %slice3A = vector.extract_strided_slice %add3A {offsets = [0, 0], sizes = [1000, 64], strides = [1, 1]} : vector<1000x80xf32> to vector<1000x64xf32>
    %slice3A_9 = vector.extract_strided_slice %add3A {offsets = [0, 64], sizes = [1000, 1], strides = [1, 1]} : vector<1000x80xf32> to vector<1000x1xf32>
    %add3A_10 = arith.constant 1.000000e-16 : f32
    %add3A_11 = vector.broadcast %add3A_10 : f32 to vector<1000x1xf32>
    %add3A_12 = arith.addf %slice3A_9, %add3A_11 : vector<1000x1xf32>
    %div3A = vector.broadcast %add3A_12 : vector<1000x1xf32> to vector<1000x64xf32>
    %div3A_13 = arith.divf %slice3A, %div3A : vector<1000x64xf32>
    %get3A_14 = arith.constant 0 : index
    %get3A_15 = arith.constant 0 : index
    %get3A_16 = vector.load %arg2[%get3A_14, %get3A_15] : memref<1x64xf32, #tpu.memory_space<vmem>>, vector<1x64xf32>
    %add3A_17 = vector.broadcast %get3A_16 : vector<1x64xf32> to vector<1000x64xf32>
    %add3A_18 = arith.addf %div3A_13, %add3A_17 : vector<1000x64xf32>
    %swap3A = arith.constant 0 : index
    %swap3A_19 = arith.constant 0 : index
    %swap3A_20 = vector.load %arg3[%swap3A, %swap3A_19] : memref<1000x64xf32, #tpu.memory_space<vmem>>, vector<1000x64xf32>
    tpu.vector_store %arg3[%swap3A, %swap3A_19], %add3A_18 {strides = array<i32>} : memref<1000x64xf32, #tpu.memory_space<vmem>>, vector<1000x64xf32>,
    return
  }
  func.func @transform_0(%arg0: i32) -> (i32, i32, i32) {
    %c0_i32 = arith.constant 0 : i32
    %c0_i32_0 = arith.constant 0 : i32
    %c0_i32_1 = arith.constant 0 : i32
    return %c0_i32, %arg0, %c0_i32_0 : i32, i32, i32
  }
  func.func @transform_1(%arg0: i32) -> (i32, i32) {
    %c0_i32 = arith.constant 0 : i32
    %c0_i32_0 = arith.constant 0 : i32
    %c0_i32_1 = arith.constant 0 : i32
    return %c0_i32, %c0_i32_0 : i32, i32
  }
  func.func @transform_2(%arg0: i32) -> (i32, i32) {
    %c0_i32 = arith.constant 0 : i32
    %c0_i32_0 = arith.constant 0 : i32
    return %arg0, %c0_i32 : i32, i32
  }
}

</mosaic_0001>

<sc_bundles>
// kernel: kernel.10.cloned.1.call-start
scs
__scs_entry_jumppad:
0x0: {  	(pc) =	sbr.rel $0x88, $3  }
0x1: {  	(tag) =	ssettag $0x0;
	lr =	simm.s32 $0x1  }
0x2: {  	[smem:$0x3F97] =	sst lr;
	_ =	strace $0xD0000000  }
0x3: {  	_ = 	snop  }
0x4: {  	_ = 	snop  }
0x5: {  	_ = 	snop  }
0x6: {  	_ = 	snop  }
0x7: {  	_ = 	snop  }
__scs_overlays_trampoline_lowered:
0x8: {  	[smem:$0x3FA6] =	sst s0  }
0x9: {  	[smem:$0x3FA7] =	sst s1  }
0xa: {  	[smem:$0x3FA8] =	sst s2  }
0xb: {  	[smem:$0x3FA9] =	sst s3  }
0xc: {  	[smem:$0x3FAA] =	sst s4  }
0xd: {  	[smem:$0x3FAB] =	sst s5  }
0xe: {  	[smem:$0x3FAC] =	sst s6  }
0xf: {  	[smem:$0x3FAD] =	sst s7  }
0x10: {  	[smem:$0x3FAE] =	sst s8  }
0x11: {  	[smem:$0x3FAF] =	sst s9;
	s0 =	simm.s32 @!p0 $0x0  }
0x12: {  	s1 =	sld [smem:$0x3F95];
	s0 =	simm.s32 @p0 $0x1  }
0x13: {  	[smem:$0x3FB0] =	sst s0;
	s0 =	simm.s32 @!p1 $0x0  }
0x14: {  	s2 =	sld [smem:$0x3F94];
	s0 =	simm.s32 @p1 $0x1  }
0x15: {  	[smem:$0x3FB1] =	sst s0;
	s0 =	simm.s32 @!p2 $0x0  }
0x16: {  	s3 =	sld [smem:$0x3FDB];
	s0 =	simm.s32 @p2 $0x1  }
0x17: {  	s4 =	simm.s32 $0x1BF5;
	[smem:$0x3FB3] =	sst s0  }
0x18: {  	s0 =	sld [smem:$0x3F96];
	_ =	swait.ge [sflag:s4], $0x0  }
0x19: {  	s7 =	sld [smem:$0x3F97]  }
0x1a: {  	s8 =	sadd.s32 $0xFFFFE003, lr  }
0x1b: {  	s9 =	sadd.s32 $0xFFFFFEF7, lr;
	s5 =	simm.s32 $0xFFFFFFFF;
	p2 =	slt.u32 s8, $0xFFFFF086  }
0x1c: {  	p1 =	slt.u32 s9, $0xF7A;
	s5 =	simm.s32 @!p2 $0x0  }
0x1d: {  	s5 =	simm.s32 @p1 $0x1;
	p0 =	seq.s32 s7, s2  }
0x1e: {  	s7 =	smul.u32 @!p0 $0xF7A, s2;
	p2 =	seq.s32 @!p0 s5, $0x0  }
0x1f: {  	s9 =	smul.u32 $0xF7A, s1;
	s8 =	simm.s32 @!p0 $0x1BF5;
	p2 =	por !p2, p0  }
0x20: {  	[sflag:s8] =	ssyncset.s32 @!p0 $0xFFFFF086;
	s6 =	sadd.s32 @!p0 s3, s7;
	s7 =	simm.s32 @!p0 $0x108  }
0x21: {  	s3 =	sadd.s32 s3, s9;
	s6 =	sadd.s32 @!p0 $0x88, s6;
	s7 =	simm.s32 @p2 $0x1082  }
0x22: {  	[simem:s7], [sflag:s8] =	dma.local @!p0 [hbm:s6], $0xF7A  }
0x23: {  	s9 =	sor.u32 $0xD0000000, s2;
	s6 =	simm.s32 $0x108;
	_ =	swait.ge @!p0 [sflag:s8], $0x0  }
0x24: {  	s3 =	sadd.s32 $0x88, s3;
	s6 =	simm.s32 @!p1 $0x1082;
	[sflag:s4] =	ssyncset.s32 $0xFFFFF086  }
0x25: {  	[simem:s6], [sflag:s4] =	dma.local [hbm:s3], $0xF7A  }
0x26: {  	[smem:$0x3F97] =	sst s1;
	(tag) =	ssettag s2;
	_ =	strace s9  }
0x27: {  	s1 =	sld [smem:$0x3FA7]  }
0x28: {  	s2 =	sld [smem:$0x3FA8]  }
0x29: {  	s4 =	sld [smem:$0x3FAA]  }
0x2a: {  	p0 =	seq.s32 s5, $0x0;
	s5 =	sld [smem:$0x3FAB]  }
0x2b: {  	s6 =	sld [smem:$0x3FAC]  }
0x2c: {  	s7 =	sld [smem:$0x3FAD]  }
0x2d: {  	s3 =	simm.s32 $0x108;
	s8 =	sld [smem:$0x3FAE]  }
0x2e: {  	s3 =	simm.s32 @!p0 $0x1082;
	s9 =	sld [smem:$0x3FAF]  }
0x2f: {  	lr =	sadd.s32 s0, s3;
	s0 =	sld [smem:$0x3FA6]  }
0x30: {  	s3 =	sld [smem:$0x3FA9]  }
0x31: {  	[smem:$0x3FB2] =	sst s10  }
0x32: {  	s10 =	sld [smem:$0x3FB0];
	_ =	sdelay $0x3  }
0x33: {  	p0 =	seq.s32 s10, $0x1;
	s10 =	sld [smem:$0x3FB2];
	_ =	sdelay $0x3  }
0x34: {  	[smem:$0x3FB2] =	sst s10  }
0x35: {  	s10 =	sld [smem:$0x3FB1];
	_ =	sdelay $0x3  }
0x36: {  	p1 =	seq.s32 s10, $0x1;
	s10 =	sld [smem:$0x3FB2];
	_ =	sdelay $0x3  }
0x37: {  	[smem:$0x3FB2] =	sst s10  }
0x38: {  	s10 =	sld [smem:$0x3FB3]  }
0x39: {  	_ = 	snop;
	(pc) =	sbr.ind lr, $3  }
0x3a: {  	_ = 	snop  }
0x3b: {  	_ = 	snop  }
0x3c: {  	p2 =	seq.s32 s10, $0x1;
	s10 =	sld [smem:$0x3FB2]  }
0x3d: {  	_ =	shalt  }
0x3e: {  	_ =	shalt  }
0x3f: {  	_ =	shalt  }
0x40: {  	_ =	shalt  }
0x41: {  	_ =	shalt  }
0x42: {  	_ =	shalt  }
0x43: {  	_ =	shalt  }
0x44: {  	_ =	shalt  }
0x45: {  	_ =	shalt  }
0x46: {  	_ =	shalt  }
0x47: {  	_ =	shalt  }
0x48: {  	_ =	shalt  }
0x49: {  	_ =	shalt  }
0x4a: {  	_ =	shalt  }
0x4b: {  	_ =	shalt  }
0x4c: {  	_ =	shalt  }
0x4d: {  	_ =	shalt  }
0x4e: {  	_ =	shalt  }
0x4f: {  	_ =	shalt  }
0x50: {  	_ =	shalt  }
0x51: {  	_ =	shalt  }
0x52: {  	_ =	shalt  }
0x53: {  	_ =	shalt  }
0x54: {  	_ =	shalt  }
0x55: {  	_ =	shalt  }
0x56: {  	_ =	shalt  }
0x57: {  	_ =	shalt  }
0x58: {  	_ =	shalt  }
0x59: {  	_ =	shalt  }
0x5a: {  	_ =	shalt  }
0x5b: {  	_ =	shalt  }
0x5c: {  	_ =	shalt  }
0x5d: {  	_ =	shalt  }
0x5e: {  	_ =	shalt  }
0x5f: {  	_ =	shalt  }
0x60: {  	_ =	shalt  }
0x61: {  	_ =	shalt  }
0x62: {  	_ =	shalt  }
0x63: {  	_ =	shalt  }
0x64: {  	_ =	shalt  }
0x65: {  	_ =	shalt  }
0x66: {  	_ =	shalt  }
0x67: {  	_ =	shalt  }
0x68: {  	_ =	shalt  }
0x69: {  	_ =	shalt  }
0x6a: {  	_ =	shalt  }
0x6b: {  	_ =	shalt  }
0x6c: {  	_ =	shalt  }
0x6d: {  	_ =	shalt  }
0x6e: {  	_ =	shalt  }
0x6f: {  	_ =	shalt  }
0x70: {  	_ =	shalt  }
0x71: {  	_ =	shalt  }
0x72: {  	_ =	shalt  }
0x73: {  	_ =	shalt  }
0x74: {  	_ =	shalt  }
0x75: {  	_ =	shalt  }
0x76: {  	_ =	shalt  }
0x77: {  	_ =	shalt  }
0x78: {  	_ =	shalt  }
0x79: {  	_ =	shalt  }
0x7a: {  	_ =	shalt  }
0x7b: {  	_ =	shalt  }
0x7c: {  	_ =	shalt  }
0x7d: {  	_ =	shalt  }
0x7e: {  	_ =	shalt  }
0x7f: {  	_ =	shalt  }
0x80: {  	_ =	shalt  }
0x81: {  	_ =	shalt  }
0x82: {  	_ =	shalt  }
0x83: {  	_ =	shalt  }
0x84: {  	_ =	shalt  }
0x85: {  	_ =	shalt  }
0x86: {  	_ =	shalt  }
0x87: {  	_ =	shalt  }
.Lfunc_end0:
.L_simem_size_0:
called_computation.1_lowered:
.L_overlay_start_0:
0x88: {  	s2 =	sld [smem:$0x3FD9]  }
0x89: {  	s3 =	sld [smem:$0x3FFE];
	_ =	sdelay $0x1  }
0x8a: {  	s1 =	srdreg.scid  }
0x8b: {  	s0 =	sand.u32 $0x1, s1  }
0x8c: {  	s17 =	sshll.u32 s0, $0xA;
	s2 =	sadd.s32 s3, s2  }
0x8d: {  	s2 =	sadd.s32 s2, s17  }
0x8e: {  	[smem:$0x3FBE] =	sst s2  }
0x8f: {  	_ = 	snop  }
0x90: {  	s2 =	sld [smem:$0x3FD0];
	(tm) =	ssettm $0x1  }
0x91: {  	s18 =	sld [smem:$0x3FFB];
	_ =	sdelay $0x3  }
0x92: {  	_ =	strace s18  }
0x93: {  	s3 =	sld [smem:$0x3FFC];
	_ =	sdelay $0x3  }
0x94: {  	_ =	strace s3  }
0x95: {  	s3 =	sld [smem:$0x3FFD];
	_ =	sdelay $0x3  }
0x96: {  	_ =	strace s3  }
0x97: {  	_ =	strace $0x8FFFFFFF  }
0x98: {  	s19 =	sld [smem:$0x3FDB];
	_ =	sdelay $0x1  }
0x99: {  	s4 =	simm.s32 $_scs_section_size  }
0x9a: {  	s5 =	simm.s32 $_size__tile_overlayer_lowered;
	s6 =	simm.s32 $_tile_overlayer_lowered  }
0x9b: {  	s22 =	simm.s32 $0x1BFF;
	s21 =	sshll.u32 s6, $0x1;
	s3 =	sadd.s32 s4, s19  }
0x9c: {  	s7 =	simm.s32 $0x0;
	s20 =	sshll.u32 s5, $0x1;
	s5 =	sadd.s32 s21, s3  }
0x9d: {  	[timem:s7], [sflag:s22] =	dma.local [hbm:s5], s20  }
0x9e: {  	_ =	swait.ge [sflag:s22], s20  }
0x9f: {  	s4 =	ssub.s32 $0x0, s20;
	[sflag:s22] =	ssyncset.done $0x0  }
0xa0: {  	[sflag:s22] =	ssyncadd.s32 s4;
	_ =	sdelay $0x1  }
0xa1: {  	s23 =	simm.s32 $0x1B8B  }
0xa2: {  	_ =	swait.ge [sflag:s23], $0x1  }
0xa3: {  	[sflag:s23] =	ssyncset.done $0x0  }
0xa4: {  	s25 =	simm.s32 $0x1B8E;
	s24 =	sld [smem:$0x3FFE];
	[sflag:s23] =	ssyncadd.s32 $0xFFFFFFFF  }
0xa5: {  	s26 =	simm.s32 $execute0_lowered;
	[smem:$0x3FD2] =	sst s25  }
0xa6: {  	s5 =	sshll.u32 s26, $0x1;
	_ =	strace $0x80000049;
	[dreg:$0x1] =	wrdreg $0xFFFFFFFF  }
0xa7: {  	s28 =	simm.s32 $_size_execute0_lowered;
	s3 =	sadd.s32 s3, s5;
	[dreg:$0x0] =	wrdreg $0x0  }
0xa8: {  	s5 =	sshll.u32 s28, $0x1;
	[dreg:$0x2] =	wrdreg s3  }
0xa9: {  	[dreg:$0x3] =	wrdreg s5  }
0xaa: {  	[dreg:$0x4] =	wrdreg $0xC0  }
0xab: {  	_ =	task [dreg:s7], $0x5FFFF  }
0xac: {  	[dreg:$0x1] =	wrdreg $0xFFFFFFFF  }
0xad: {  	[dreg:$0x0] =	wrdreg $0x60  }
0xae: {  	[dreg:$0x2] =	wrdreg s24  }
0xaf: {  	[dreg:$0x3] =	wrdreg s2  }
0xb0: {  	[dreg:$0x4] =	wrdreg $0x3D400  }
0xb1: {  	[dreg:$0x5] =	wrdreg $0x9  }
0xb2: {  	_ =	task.clear_ibuf [dreg:s7], $0x6FFFF;
	_ =	strace $0x90000049  }
0xb3: {  	s29 =	simm.s32 $0x9;
	_ =	strace $0x8000004B  }
0xb4: {  	_ =	swait.ge [sflag:s29], $0x1  }
0xb5: {  	[sflag:s29] =	ssyncadd.s32 $0xFFFFFFFF  }
0xb6: {  	_ =	strace $0x9000004B  }
0xb7: {  	_ =	sfence  }
0xb8: {  	s30 =	sld [smem:$0x0];
	_ =	sdelay $0x2  }
0xb9: {  	s31 =	sshll.u32 s1, $0xD;
	s1 =	sshrl.u32 s1, $0x2  }
0xba: {  	s3 =	sand.u32 $0x4000, s31;
	s1 =	sadd.s32 s1, s30  }
0xbb: {  	s0 =	sor.u32 s3, s0;
	s1 =	sshll.u32 s1, $0x11  }
0xbc: {  	s0 =	sor.u32 s1, s0  }
0xbd: {  	s0 =	sadd.s32 $0x8F2B, s0  }
0xbe: {  	[sflag:s0] =	ssyncadd.remote.s32 $0x1  }
0xbf: {  	_ =	sfence.sel $0xFFFF  }
0xc0: {  	[dreg:$0x0] =	wrdreg $0xFFFFFFFF;
	(pc) =	sbr.abs _section_cstart, $3  }
0xc1: {  	[dreg:$0x1] =	wrdreg $0xFFFFFFFF  }
0xc2: {  	_ =	task.clear_ibuf [dreg:s7], $0x2FFFF;
	_ =	strace $0x9FFFFFFF  }
0xc3: {  	(tm) =	ssettm $0x7FFFFFFF  }
tec
execute0_lowered:
.L_overlay_start_1:
0x0: {  	(tag) =	ssettag $0x1  }
0x1: {  	s8 =	rddreg [dreg:$0x0]  }
0x2: {  	s1 =	rddreg [dreg:$0x1]  }
0x3: {  	s2 =	rddreg [dreg:$0x2]  }
0x4: {  	s3 =	srdreg.scid;
	s0 =	rddreg [dreg:$0x3];
	s4 =	simm.s32 $0x0  }
0x5: {  	s15 =	simm.s32 $0x4E200;
	s16 =	simm.s32 $0x3340;
	s17 =	simm.s32 $0x1  }
0x6: {  	s18 =	simm.s32 $0x4;
	s19 =	simm.s32 $0x2;
	s9 =	sand.u32 $0x1, s3  }
0x7: {  	s20 =	simm.s32 $0xF0;
	s3 =	stileid.u32;
	s7 =	smul.u32 $0xC3500, s9  }
0x8: {  	s21 =	simm.s32 $0x1A40;
	[smem:$0x7FF] =	sst s4;
	s10 =	smul.u32 $0xC350, s3  }
0x9: {  	s5 =	sadd.s32 $0x2000, s8;
	s6 =	sadd.s32 $0x1A800, s8;
	_ =	strace $0x8000004A  }
0xa: {  	s11 =	sshll.u32 s3, $0x1;
	s13 =	smul.u32 $0x30D40, s3;
	s12 =	sadd.s32 s10, s7  }
0xb: {  	v0 =	vimm.s32 $0xFFEDCBA9;
	v1 =	vimm.s32 $0x87654321;
	s7 =	sor.u32 s9, s11;
	s9 =	ssub.s32 $0x2, s9;
	s22 =	sadd.s32 s10, s2  }
.Ltmp0:
0xc: {  	v0 =	vunpack.c.l.s4.s8 v0;
	v1 =	vunpack.c.l.s4.s8 v1;
	s31 =	sshrl.u32 s13, $0x2;
	s13 =	simm.s32 $0x3;
	(pc) =	sbr.rel .LBB2_1-.Ltmp0, $4  }
0xd: {  	s28 =	sshrl.u32 s12, $0x3;
	s29 =	smul.u32 $0xA, s7;
	s30 =	sshrl.u32 s9, $0x1  }
0xe: {  	v2 =	vunpack.c.0.s8.s32 v0;
	v1 =	vunpack.c.0.s8.s32 v1;
	s12 =	simm.s32 $0x140;
	s22 =	sshrl.u32 s22, $0x3;
	s11 =	sadd.s32 s28, s8  }
0xf: {  	vm0 =	vmmov $0x1;
	s14 =	ssub.s32 s9, s30;
	s8 =	sadd.s32 s1, s29;
	s9 =	sadd.s32 $0x1F800, s11  }
0x10: {  	v0 =	vimm.f32 $0.0e+00;
	v1 =	vcombine.low v1, v2;
	v2 =	vimm.s32 $0x0;
	s10 =	smax.u32 s14, $0x1;
	s11 =	sadd.s32 s31, s2;
	s14 =	simm.s32 $0x50  }
.LBB2_13:
0x11: {  	s4 =	sadd.s32 $0x1, s4  }
0x12: {  	s23 =	sshll.u32 s3, $0x6;
	p0 =	sne.s32 s4, s10  }
.Ltmp1:
0x13: {  	[bflag:$0x0] =	sbarrier.arrive $0xFFFF;
	s23 =	sor.u32 $0x1C03, s23;
	(pc) =	sbr.rel @!p0 .LBB2_14-.Ltmp1, $4  }
0x14: {  	[hbm:s9], [sflag:s23] =	dma.local [spmem:s22], $0x186A  }
0x15: {  	_ =	swait.ge [sflag:s13], $0x186A  }
0x16: {  	[sflag:s13] =	ssyncset.done $0x0  }
0x17: {  	[sflag:s13] =	ssyncadd.s32 $0xFFFFE796  }
.LBB2_1:
0x18: {  	s24 =	simm.s32 $0x240;
	s23 =	simm.s32 $0x40  }
.LBB2_2:
0x19: {  	p0 =	sne.s32 s24, $0x63C0;
	[tilespmem:s23+$0x140] =	vst v0;
	s25 =	smov.u32 s24;
	s24 =	sadd.s32 $0x140, s24  }
.Ltmp2:
0x1a: {  	[tilespmem:s23+$0x130] =	vst v0;
	(pc) =	sbr.rel @p0 .LBB2_2-.Ltmp2, $4  }
0x1b: {  	[tilespmem:s23+$0x120] =	vst v0  }
0x1c: {  	[tilespmem:s23+$0x100] =	vst v0  }
0x1d: {  	[tilespmem:s23+$0x110] =	vst v0  }
0x1e: {  	s23 =	sshra.s32 s25, $0x2  }
0x1f: {  	[tilespmem:s23+$0x140] =	vst v0  }
0x20: {  	[tilespmem:s23+$0x130] =	vst v0  }
0x21: {  	[tilespmem:s23+$0x120] =	vst v0  }
0x22: {  	[tilespmem:s23+$0x100] =	vst v0  }
0x23: {  	[tilespmem:s23+$0x110] =	vst v0;
	s31 =	sadd.s32 $0x0, s11  }
0x24: {  	[spmem:s31] =	stream.linear.scatter [tilespmem:s12], [sflag:$0x3], $0x7D0, $0x38;
	[tilespmem:$0x10090] =	vst v63  }
0x25: {  	s23 =	simm.s32 $0x1F40;
	_ =	swait.ge [sflag:s13], $0x7D0  }
.LBB2_4:
0x26: {  	s24 =	sshra.s32 s23, $0x2;
	[sflag:s13] =	ssyncset.done $0x0;
	p0 =	sne.s32 s23, $0x2EE00  }
.Ltmp3:
0x27: {  	s24 =	sadd.s32 s24, s11;
	[sflag:s13] =	ssyncadd.s32 $0xFFFFF830;
	(pc) =	sbr.rel @p0 .LBB2_4-.Ltmp3, $3  }
0x28: {  	[spmem:s24] =	stream.linear.scatter [tilespmem:s12], [sflag:$0x3], $0x7D0, $0x38;
	[tilespmem:$0x10090] =	vst v63  }
0x29: {  	s23 =	sadd.s32 $0x1F40, s23;
	_ =	sdelay $0x1  }
0x2a: {  	_ =	swait.ge [sflag:s13], $0x7D0  }
0x2b: {  	[sflag:s13] =	ssyncset.done $0x0  }
0x2c: {  	[sflag:s13] =	ssyncadd.s32 $0xFFFFF830  }
0x2d: {  	s23 =	simm.s32 $0x0;
	[bflag:$0x0] =	sbarrier.arrive $0xFFFF  }
0x2e: {  	[tilespmem:s23], [sflag:$0x3] =	stream.strided.gather [hbm4b:s8+s14], $0xA0, s15, s14, $0x38;
	[tilespmem:$0x10090] =	vst v63  }
0x2f: {  	_ =	swait.ge [sflag:s13], $0xA0  }
.Ltmp4:
0x30: {  	[sflag:s13] =	ssyncset.done $0x0;
	(pc) =	sbr.rel .LBB2_6-.Ltmp4, $4  }
0x31: {  	[sflag:s13] =	ssyncadd.s32 $0xFFFFFF60  }
0x32: {  	[tilespmem:s12], [sflag:$0x1] =	stream.indirect.gather [hbm4b:s5+s14], $0x50, s23, s14, $0xb8;
	[tilespmem:$0x10090] =	vst v63  }
0x33: {  	_ = 	snop  }
0x34: {  	[tilespmem:s16], [sflag:$0x1] =	stream.indirect.gather [hbm4b:s6+s14], $0x10, s14, s14, $0xb8;
	[tilespmem:$0x10090] =	vst v63  }
.LBB2_12:
0x35: {  	s23 =	sadd.s32 $0x1, s23  }
0x36: {  	p0 =	sne.s32 s23, $0x3F  }
.Ltmp5:
0x37: {  	_ = 	snop;
	(pc) =	sbr.rel @!p0 .LBB2_13-.Ltmp5, $1  }
0x38: {  	_ =	sdelay $0x3  }
.LBB2_6:
0x39: {  	s24 =	sshll.u32 s23, $0x6  }
0x3a: {  	s24 =	sor.u32 s7, s24  }
0x3b: {  	s25 =	sor.u32 $0x20, s24  }
0x3c: {  	p0 =	sgt.u32 s25, $0xF9F  }
0x3d: {  	s25 =	smul.u32 @!p0 $0xA, s25  }
0x3e: {  	s26 =	simm.s32 @!p0 $0x50  }
0x3f: {  	s28 =	simm.s32 @!p0 $0x4E200;
	s29 =	simm.s32 @!p0 $0xA0;
	s25 =	sadd.s32 @!p0 s1, s25  }
0x40: {  	[tilespmem:s29], [sflag:$0x4] =	stream.strided.gather @!p0 [hbm4b:s25+s26], $0xA0, s28, s26, $0x38;
	[tilespmem:$0x10090] =	vst v63  }
0x41: {  	s25 =	simm.s32 @!p0 $0x4  }
0x42: {  	_ =	swait.ge @!p0 [sflag:s25], $0xA0  }
0x43: {  	[sflag:s25] =	ssyncset.done @!p0 $0x0  }
0x44: {  	[sflag:s25] =	ssyncadd.s32 @!p0 $0xFFFFFF60;
	s25 =	simm.s32 @!p0 $0x1A40  }
0x45: {  	[tilespmem:s25], [sflag:$0x2] =	stream.indirect.gather @!p0 [hbm4b:s5+s26], $0x50, s29, s26, $0xb8;
	[tilespmem:$0x10090] =	vst v63  }
0x46: {  	s28 =	simm.s32 @!p0 $0x3840;
	s25 =	simm.s32 @!p0 $0xF0  }
0x47: {  	[tilespmem:s28], [sflag:$0x2] =	stream.indirect.gather @!p0 [hbm4b:s6+s26], $0x10, s25, s26, $0xb8;
	[tilespmem:$0x10090] =	vst v63  }
0x48: {  	_ =	swait.ge [sflag:s17], $0x1900  }
0x49: {  	[sflag:s17] =	ssyncset.done $0x0  }
0x4a: {  	[sflag:s17] =	ssyncadd.s32 $0xFFFFE700  }
0x4b: {  	_ =	swait.ge [sflag:s17], $0x500  }
0x4c: {  	[sflag:s17] =	ssyncset.done $0x0  }
0x4d: {  	s31 =	simm.s32 $0x0;
	[sflag:s17] =	ssyncadd.s32 $0xFFFFFB00  }
0x4e: {  	v3 =	vld [tilespmem:s31+$0x3340]  }
0x4f: {  	s25 =	simm.s32 $0x160  }
0x50: {  	v4 =	vld [tilespmem:s25+$0x20];
	_ =	sdelay $0x2  }
0x51: {  	v3 =	vperm.xlane v3, v1;
	_ =	sdelay $0x1  }
0x52: {  	v3 =	vadd.f32 v3, v4;
	_ =	sdelay $0x1  }
0x53: {  	v4 =	vmul.f32 $2.000000030e-01, v3;
	_ =	sdelay $0x1  }
0x54: {  	v3 =	vmax.f32 v3, v4  }
0x55: {  	v3 =	vmul.f32 $1.442695020e+00, v3;
	_ =	sdelay $0x1  }
0x56: {  	(erf) = vpow2.f32 v3;
	_ =	sdelay $0x6  }
0x57: {  	v3 =	vld [tilespmem:s25+$0xFFFFFFE0]  }
0x58: {  	v63 =	vld [tilespmem:s25+$0xFFFFFFF0]  }
0x59: {  	v5 =	vld [tilespmem:s25+$0x0];
	v6 =	vpop (erf)  }
0x5a: {  	v7 =	vld [tilespmem:s25+$0x10];
	v8 =	vperm.xlane v6, v2;
	_ =	sdelay $0x1  }
0x5b: {  	v6 =	vnsel vm0, $0x0, v6;
	v3 =	vmul.f32 v3, v8  }
0x5c: {  	[tilespmem:s25+$0x20] =	vst v6;
	v4 =	vmul.f32 v63, v8  }
0x5d: {  	v5 =	vmul.f32 v5, v8;
	[tilespmem:s25+$0xFFFFFFE0] =	vst v3  }
0x5e: {  	v3 =	vmul.f32 v7, v8;
	[tilespmem:s25+$0xFFFFFFF0] =	vst v4  }
0x5f: {  	[tilespmem:s25+$0x0] =	vst v5  }
0x60: {  	s28 =	simm.s32 $0x10;
	s26 =	simm.s32 $0x80;
	[tilespmem:s25+$0x10] =	vst v3  }
.LBB2_7:
0x61: {  	p1 =	sne.s32 s26, $0x13C0;
	v3 =	vld [tilespmem:s28+$0x3340]  }
0x62: {  	s25 =	sadd.s32 $0x50, s25  }
0x63: {  	v4 =	vld [tilespmem:s25+$0x20];
	_ =	sdelay $0x2  }
0x64: {  	v3 =	vperm.xlane v3, v1;
	_ =	sdelay $0x1  }
0x65: {  	v3 =	vadd.f32 v3, v4;
	_ =	sdelay $0x1  }
0x66: {  	v4 =	vmul.f32 $2.000000030e-01, v3;
	_ =	sdelay $0x1  }
0x67: {  	v3 =	vmax.f32 v3, v4  }
0x68: {  	v3 =	vmul.f32 $1.442695020e+00, v3;
	_ =	sdelay $0x1  }
0x69: {  	(erf) = vpow2.f32 v3;
	_ =	sdelay $0x4  }
0x6a: {  	v3 =	vld [tilespmem:s25+$0xFFFFFFF0]  }
0x6b: {  	v4 =	vld [tilespmem:s25+$0x10]  }
0x6c: {  	v5 =	vld [tilespmem:s25+$0xFFFFFFE0]  }
0x6d: {  	v6 =	vld [tilespmem:s25+$0x0]  }
0x6e: {  	v7 =	vpop (erf)  }
0x6f: {  	v8 =	vperm.xlane v7, v2;
	v7 =	vnsel vm0, $0x0, v7  }
0x70: {  	[tilespmem:s25+$0x20] =	vst v7  }
0x71: {  	v5 =	vmul.f32 v5, v8;
	v3 =	vmul.f32 v3, v8  }
.Ltmp6:
0x72: {  	v4 =	vmul.f32 v4, v8;
	v6 =	vmul.f32 v6, v8;
	(pc) =	sbr.rel @p1 .LBB2_7-.Ltmp6, $4  }
0x73: {  	[tilespmem:s25+$0xFFFFFFE0] =	vst v5  }
0x74: {  	[tilespmem:s25+$0xFFFFFFF0] =	vst v3  }
0x75: {  	[tilespmem:s25+$0x0] =	vst v6  }
0x76: {  	s28 =	sshra.s32 s26, $0x2;
	s26 =	sadd.s32 $0x40, s26;
	[tilespmem:s25+$0x10] =	vst v4  }
0x77: {  	v3 =	vld [tilespmem:s28+$0x3340]  }
0x78: {  	s25 =	sadd.s32 $0x50, s25  }
0x79: {  	v4 =	vld [tilespmem:s25+$0x20];
	_ =	sdelay $0x2  }
0x7a: {  	v3 =	vperm.xlane v3, v1;
	_ =	sdelay $0x1  }
0x7b: {  	v3 =	vadd.f32 v3, v4;
	_ =	sdelay $0x1  }
0x7c: {  	v4 =	vmul.f32 $2.000000030e-01, v3;
	_ =	sdelay $0x1  }
0x7d: {  	v3 =	vmax.f32 v3, v4  }
0x7e: {  	v3 =	vmul.f32 $1.442695020e+00, v3;
	_ =	sdelay $0x1  }
0x7f: {  	(erf) = vpow2.f32 v3;
	_ =	sdelay $0x6  }
0x80: {  	v3 =	vld [tilespmem:s25+$0xFFFFFFE0]  }
0x81: {  	v63 =	vld [tilespmem:s25+$0xFFFFFFF0]  }
0x82: {  	v5 =	vld [tilespmem:s25+$0x0];
	v6 =	vpop (erf)  }
0x83: {  	v7 =	vld [tilespmem:s25+$0x10];
	v8 =	vperm.xlane v6, v2;
	_ =	sdelay $0x1  }
0x84: {  	v6 =	vnsel vm0, $0x0, v6;
	v3 =	vmul.f32 v3, v8  }
0x85: {  	[tilespmem:s25+$0x20] =	vst v6;
	v4 =	vmul.f32 v63, v8  }
0x86: {  	v5 =	vmul.f32 v5, v8;
	[tilespmem:s25+$0xFFFFFFE0] =	vst v3  }
0x87: {  	v3 =	vmul.f32 v7, v8;
	[tilespmem:s25+$0xFFFFFFF0] =	vst v4  }
0x88: {  	p1 =	seq.s32 s23, $0x3E;
	[tilespmem:s25+$0x0] =	vst v5  }
0x89: {  	s24 =	smul.u32 @!p1 $0x50, s24;
	[tilespmem:s25+$0x10] =	vst v3  }
0x8a: {  	[spmem:s2] =	stream.indirect.scatter.add.f32 [tilespmem:s12], [sflag:$0x4], $0x50, s14, s14, $0xb8;
	[tilespmem:$0x10090] =	vst v63  }
0x8b: {  	s26 =	simm.s32 @!p1 $0x4E200;
	s24 =	sshrl.u32 @!p1 s24, $0x3;
	_ =	swait.ge [sflag:s18], $0x1900  }
0x8c: {  	s28 =	simm.s32 @!p1 $0x0;
	s24 =	sadd.s32 @!p1 s1, s24;
	[sflag:s18] =	ssyncset.done $0x0  }
0x8d: {  	s24 =	sadd.s32 @!p1 $0x280, s24;
	s25 =	simm.s32 @!p1 $0x50;
	[sflag:s18] =	ssyncadd.s32 $0xFFFFE700  }
0x8e: {  	[tilespmem:s28], [sflag:$0x4] =	stream.strided.gather @!p1 [hbm4b:s24+s25], $0xA0, s26, s25, $0x38;
	[tilespmem:$0x10090] =	vst v63  }
0x8f: {  	s24 =	simm.s32 @!p1 $0x4  }
0x90: {  	_ =	swait.ge @!p1 [sflag:s24], $0xA0  }
.Ltmp7:
0x91: {  	[sflag:s24] =	ssyncset.done @!p1 $0x0;
	(pc) =	sbr.rel @p0 .LBB2_12-.Ltmp7, $4  }
0x92: {  	[sflag:s24] =	ssyncadd.s32 @!p1 $0xFFFFFF60;
	s24 =	simm.s32 @!p1 $0x140  }
0x93: {  	[tilespmem:s24], [sflag:$0x1] =	stream.indirect.gather @!p1 [hbm4b:s5+s25], $0x50, s28, s25, $0xb8;
	[tilespmem:$0x10090] =	vst v63  }
0x94: {  	s24 =	simm.s32 @!p1 $0x3340  }
0x95: {  	[tilespmem:s24], [sflag:$0x1] =	stream.indirect.gather @!p1 [hbm4b:s6+s25], $0x10, s25, s25, $0xb8;
	[tilespmem:$0x10090] =	vst v63  }
0x96: {  	_ =	swait.ge [sflag:s19], $0x1900  }
0x97: {  	[sflag:s19] =	ssyncset.done $0x0  }
0x98: {  	[sflag:s19] =	ssyncadd.s32 $0xFFFFE700  }
0x99: {  	_ =	swait.ge [sflag:s19], $0x500  }
0x9a: {  	[sflag:s19] =	ssyncset.done $0x0  }
0x9b: {  	s24 =	simm.s32 $0x0;
	[sflag:s19] =	ssyncadd.s32 $0xFFFFFB00  }
0x9c: {  	v3 =	vld [tilespmem:s24+$0x3840]  }
0x9d: {  	s24 =	simm.s32 $0x1A60  }
0x9e: {  	v4 =	vld [tilespmem:s24+$0x20];
	_ =	sdelay $0x2  }
0x9f: {  	v3 =	vperm.xlane v3, v1;
	_ =	sdelay $0x1  }
0xa0: {  	v3 =	vadd.f32 v3, v4;
	_ =	sdelay $0x1  }
0xa1: {  	v4 =	vmul.f32 $2.000000030e-01, v3;
	_ =	sdelay $0x1  }
0xa2: {  	v3 =	vmax.f32 v3, v4  }
0xa3: {  	v3 =	vmul.f32 $1.442695020e+00, v3;
	_ =	sdelay $0x1  }
0xa4: {  	(erf) = vpow2.f32 v3;
	_ =	sdelay $0x6  }
0xa5: {  	v3 =	vld [tilespmem:s24+$0xFFFFFFE0]  }
0xa6: {  	v63 =	vld [tilespmem:s24+$0xFFFFFFF0]  }
0xa7: {  	v5 =	vld [tilespmem:s24+$0x0];
	v6 =	vpop (erf)  }
0xa8: {  	v7 =	vld [tilespmem:s24+$0x10];
	v8 =	vperm.xlane v6, v2;
	_ =	sdelay $0x1  }
0xa9: {  	v6 =	vnsel vm0, $0x0, v6;
	v3 =	vmul.f32 v3, v8  }
0xaa: {  	[tilespmem:s24+$0x20] =	vst v6;
	v4 =	vmul.f32 v63, v8  }
0xab: {  	v5 =	vmul.f32 v5, v8;
	[tilespmem:s24+$0xFFFFFFE0] =	vst v3  }
0xac: {  	v3 =	vmul.f32 v7, v8;
	[tilespmem:s24+$0xFFFFFFF0] =	vst v4  }
0xad: {  	[tilespmem:s24+$0x0] =	vst v5  }
0xae: {  	s26 =	simm.s32 $0x10;
	s25 =	simm.s32 $0x80;
	[tilespmem:s24+$0x10] =	vst v3  }
.LBB2_10:
0xaf: {  	p0 =	sne.s32 s25, $0x13C0;
	v3 =	vld [tilespmem:s26+$0x3840]  }
0xb0: {  	s24 =	sadd.s32 $0x50, s24  }
0xb1: {  	v4 =	vld [tilespmem:s24+$0x20];
	_ =	sdelay $0x2  }
0xb2: {  	v3 =	vperm.xlane v3, v1;
	_ =	sdelay $0x1  }
0xb3: {  	v3 =	vadd.f32 v3, v4;
	_ =	sdelay $0x1  }
0xb4: {  	v4 =	vmul.f32 $2.000000030e-01, v3;
	_ =	sdelay $0x1  }
0xb5: {  	v3 =	vmax.f32 v3, v4  }
0xb6: {  	v3 =	vmul.f32 $1.442695020e+00, v3;
	_ =	sdelay $0x1  }
0xb7: {  	(erf) = vpow2.f32 v3;
	_ =	sdelay $0x4  }
0xb8: {  	v3 =	vld [tilespmem:s24+$0xFFFFFFF0]  }
0xb9: {  	v4 =	vld [tilespmem:s24+$0x10]  }
0xba: {  	v5 =	vld [tilespmem:s24+$0xFFFFFFE0]  }
0xbb: {  	v6 =	vld [tilespmem:s24+$0x0]  }
0xbc: {  	v7 =	vpop (erf)  }
0xbd: {  	v8 =	vperm.xlane v7, v2;
	v7 =	vnsel vm0, $0x0, v7  }
0xbe: {  	[tilespmem:s24+$0x20] =	vst v7  }
0xbf: {  	v5 =	vmul.f32 v5, v8;
	v3 =	vmul.f32 v3, v8  }
.Ltmp8:
0xc0: {  	v4 =	vmul.f32 v4, v8;
	v6 =	vmul.f32 v6, v8;
	(pc) =	sbr.rel @p0 .LBB2_10-.Ltmp8, $4  }
0xc1: {  	[tilespmem:s24+$0xFFFFFFE0] =	vst v5  }
0xc2: {  	[tilespmem:s24+$0xFFFFFFF0] =	vst v3  }
0xc3: {  	[tilespmem:s24+$0x0] =	vst v6  }
0xc4: {  	s26 =	sshra.s32 s25, $0x2;
	s25 =	sadd.s32 $0x40, s25;
	[tilespmem:s24+$0x10] =	vst v4  }
0xc5: {  	v3 =	vld [tilespmem:s26+$0x3840]  }
0xc6: {  	s24 =	sadd.s32 $0x50, s24  }
0xc7: {  	v4 =	vld [tilespmem:s24+$0x20];
	_ =	sdelay $0x2  }
0xc8: {  	v3 =	vperm.xlane v3, v1;
	_ =	sdelay $0x1  }
0xc9: {  	v3 =	vadd.f32 v3, v4;
	_ =	sdelay $0x1  }
0xca: {  	v4 =	vmul.f32 $2.000000030e-01, v3;
	_ =	sdelay $0x1  }
0xcb: {  	v3 =	vmax.f32 v3, v4  }
0xcc: {  	v3 =	vmul.f32 $1.442695020e+00, v3;
	_ =	sdelay $0x1  }
0xcd: {  	(erf) = vpow2.f32 v3;
	_ =	sdelay $0x6  }
0xce: {  	v3 =	vld [tilespmem:s24+$0xFFFFFFE0]  }
0xcf: {  	v63 =	vld [tilespmem:s24+$0xFFFFFFF0]  }
0xd0: {  	v5 =	vld [tilespmem:s24+$0x0];
	v6 =	vpop (erf)  }
0xd1: {  	v7 =	vld [tilespmem:s24+$0x10];
	v8 =	vperm.xlane v6, v2;
	_ =	sdelay $0x1  }
0xd2: {  	v6 =	vnsel vm0, $0x0, v6;
	v3 =	vmul.f32 v3, v8  }
0xd3: {  	[tilespmem:s24+$0x20] =	vst v6;
	v4 =	vmul.f32 v63, v8  }
0xd4: {  	v5 =	vmul.f32 v5, v8;
	[tilespmem:s24+$0xFFFFFFE0] =	vst v3  }
0xd5: {  	v3 =	vmul.f32 v7, v8;
	[tilespmem:s24+$0xFFFFFFF0] =	vst v4  }
0xd6: {  	[tilespmem:s24+$0x0] =	vst v5  }
.Ltmp9:
0xd7: {  	[tilespmem:s24+$0x10] =	vst v3;
	(pc) =	sbr.rel .LBB2_12-.Ltmp9, $4  }
0xd8: {  	[spmem:s2] =	stream.indirect.scatter.add.f32 [tilespmem:s21], [sflag:$0x3], $0x50, s20, s14, $0xb8;
	[tilespmem:$0x10090] =	vst v63  }
0xd9: {  	_ =	swait.ge [sflag:s13], $0x1900  }
0xda: {  	[sflag:s13] =	ssyncset.done $0x0  }
0xdb: {  	[sflag:s13] =	ssyncadd.s32 $0xFFFFE700  }
.LBB2_14:
0xdc: {  	_ =	sfence.sel $0x180000  }
0xdd: {  	[bflag:$0x0] =	sbarrier.arrive $0xFFFF  }
0xde: {  	p0 =	sne.s32 s3, $0x0;
	_ =	strace $0x9000004A  }
0xdf: {  	s0 =	sadd.s32 @!p0 $0x100000, s0;
	[bflag:$0x2] =	sbarrier.arrive $0xFFFF  }
0xe0: {  	[sflag:s0] =	ssyncadd.tile.s32 @!p0 $0x1;
	_ =	shalt  }
.Lfunc_end2:
_tile_overlayer_lowered:
.L_overlay_start_2:
0xe1: {  	(tag) =	ssettag $0x2  }
0xe2: {  	s0 =	rddreg [dreg:$0x0];
	s2 =	stileid.u32  }
0xe3: {  	s1 =	rddreg [dreg:$0x1];
	p0 =	sne.s32 s2, $0x0  }
0xe4: {  	s3 =	rddreg [dreg:$0x2];
	[bflag:$0x3] =	sbarrier.arrive $0xFFFF;
	s2 =	simm.s32 @!p0 $0x1C03  }
0xe5: {  	[timem:s3], [sflag:s2] =	dma.local @!p0 [hbm:s0], s1  }
0xe6: {  	s0 =	simm.s32 @!p0 $0x3  }
0xe7: {  	_ =	swait.ge @!p0 [sflag:s0], s1  }
0xe8: {  	s1 =	ssub.s32 @!p0 $0x0, s1;
	[sflag:s0] =	ssyncset.done @!p0 $0x0  }
0xe9: {  	[sflag:s0] =	ssyncadd.s32 @!p0 s1  }
0xea: {  	[bflag:$0x3] =	sbarrier.arrive $0xFFFF  }
0xeb: {  	_ =	shalt  }

// kernel: kernel.7.cloned.1.call-start
scs
__scs_entry_jumppad:
0x0: {  	(pc) =	sbr.rel $0x88, $3  }
0x1: {  	(tag) =	ssettag $0x0;
	lr =	simm.s32 $0x1  }
0x2: {  	[smem:$0x3F97] =	sst lr;
	_ =	strace $0xD0000000  }
0x3: {  	_ = 	snop  }
0x4: {  	_ = 	snop  }
0x5: {  	_ = 	snop  }
0x6: {  	_ = 	snop  }
0x7: {  	_ = 	snop  }
__scs_overlays_trampoline_lowered:
0x8: {  	[smem:$0x3FA6] =	sst s0  }
0x9: {  	[smem:$0x3FA7] =	sst s1  }
0xa: {  	[smem:$0x3FA8] =	sst s2  }
0xb: {  	[smem:$0x3FA9] =	sst s3  }
0xc: {  	[smem:$0x3FAA] =	sst s4  }
0xd: {  	[smem:$0x3FAB] =	sst s5  }
0xe: {  	[smem:$0x3FAC] =	sst s6  }
0xf: {  	[smem:$0x3FAD] =	sst s7  }
0x10: {  	[smem:$0x3FAE] =	sst s8  }
0x11: {  	[smem:$0x3FAF] =	sst s9;
	s0 =	simm.s32 @!p0 $0x0  }
0x12: {  	s1 =	sld [smem:$0x3F95];
	s0 =	simm.s32 @p0 $0x1  }
0x13: {  	[smem:$0x3FB0] =	sst s0;
	s0 =	simm.s32 @!p1 $0x0  }
0x14: {  	s2 =	sld [smem:$0x3F94];
	s0 =	simm.s32 @p1 $0x1  }
0x15: {  	[smem:$0x3FB1] =	sst s0;
	s0 =	simm.s32 @!p2 $0x0  }
0x16: {  	s3 =	sld [smem:$0x3FDB];
	s0 =	simm.s32 @p2 $0x1  }
0x17: {  	s4 =	simm.s32 $0x1BF5;
	[smem:$0x3FB3] =	sst s0  }
0x18: {  	s0 =	sld [smem:$0x3F96];
	_ =	swait.ge [sflag:s4], $0x0  }
0x19: {  	s7 =	sld [smem:$0x3F97]  }
0x1a: {  	s8 =	sadd.s32 $0xFFFFE003, lr  }
0x1b: {  	s9 =	sadd.s32 $0xFFFFFEF7, lr;
	s5 =	simm.s32 $0xFFFFFFFF;
	p2 =	slt.u32 s8, $0xFFFFF086  }
0x1c: {  	p1 =	slt.u32 s9, $0xF7A;
	s5 =	simm.s32 @!p2 $0x0  }
0x1d: {  	s5 =	simm.s32 @p1 $0x1;
	p0 =	seq.s32 s7, s2  }
0x1e: {  	s7 =	smul.u32 @!p0 $0xF7A, s2;
	p2 =	seq.s32 @!p0 s5, $0x0  }
0x1f: {  	s9 =	smul.u32 $0xF7A, s1;
	s8 =	simm.s32 @!p0 $0x1BF5;
	p2 =	por !p2, p0  }
0x20: {  	[sflag:s8] =	ssyncset.s32 @!p0 $0xFFFFF086;
	s6 =	sadd.s32 @!p0 s3, s7;
	s7 =	simm.s32 @!p0 $0x108  }
0x21: {  	s3 =	sadd.s32 s3, s9;
	s6 =	sadd.s32 @!p0 $0x88, s6;
	s7 =	simm.s32 @p2 $0x1082  }
0x22: {  	[simem:s7], [sflag:s8] =	dma.local @!p0 [hbm:s6], $0xF7A  }
0x23: {  	s9 =	sor.u32 $0xD0000000, s2;
	s6 =	simm.s32 $0x108;
	_ =	swait.ge @!p0 [sflag:s8], $0x0  }
0x24: {  	s3 =	sadd.s32 $0x88, s3;
	s6 =	simm.s32 @!p1 $0x1082;
	[sflag:s4] =	ssyncset.s32 $0xFFFFF086  }
0x25: {  	[simem:s6], [sflag:s4] =	dma.local [hbm:s3], $0xF7A  }
0x26: {  	[smem:$0x3F97] =	sst s1;
	(tag) =	ssettag s2;
	_ =	strace s9  }
0x27: {  	s1 =	sld [smem:$0x3FA7]  }
0x28: {  	s2 =	sld [smem:$0x3FA8]  }
0x29: {  	s4 =	sld [smem:$0x3FAA]  }
0x2a: {  	p0 =	seq.s32 s5, $0x0;
	s5 =	sld [smem:$0x3FAB]  }
0x2b: {  	s6 =	sld [smem:$0x3FAC]  }
0x2c: {  	s7 =	sld [smem:$0x3FAD]  }
0x2d: {  	s3 =	simm.s32 $0x108;
	s8 =	sld [smem:$0x3FAE]  }
0x2e: {  	s3 =	simm.s32 @!p0 $0x1082;
	s9 =	sld [smem:$0x3FAF]  }
0x2f: {  	lr =	sadd.s32 s0, s3;
	s0 =	sld [smem:$0x3FA6]  }
0x30: {  	s3 =	sld [smem:$0x3FA9]  }
0x31: {  	[smem:$0x3FB2] =	sst s10  }
0x32: {  	s10 =	sld [smem:$0x3FB0];
	_ =	sdelay $0x3  }
0x33: {  	p0 =	seq.s32 s10, $0x1;
	s10 =	sld [smem:$0x3FB2];
	_ =	sdelay $0x3  }
0x34: {  	[smem:$0x3FB2] =	sst s10  }
0x35: {  	s10 =	sld [smem:$0x3FB1];
	_ =	sdelay $0x3  }
0x36: {  	p1 =	seq.s32 s10, $0x1;
	s10 =	sld [smem:$0x3FB2];
	_ =	sdelay $0x3  }
0x37: {  	[smem:$0x3FB2] =	sst s10  }
0x38: {  	s10 =	sld [smem:$0x3FB3]  }
0x39: {  	_ = 	snop;
	(pc) =	sbr.ind lr, $3  }
0x3a: {  	_ = 	snop  }
0x3b: {  	_ = 	snop  }
0x3c: {  	p2 =	seq.s32 s10, $0x1;
	s10 =	sld [smem:$0x3FB2]  }
0x3d: {  	_ =	shalt  }
0x3e: {  	_ =	shalt  }
0x3f: {  	_ =	shalt  }
0x40: {  	_ =	shalt  }
0x41: {  	_ =	shalt  }
0x42: {  	_ =	shalt  }
0x43: {  	_ =	shalt  }
0x44: {  	_ =	shalt  }
0x45: {  	_ =	shalt  }
0x46: {  	_ =	shalt  }
0x47: {  	_ =	shalt  }
0x48: {  	_ =	shalt  }
0x49: {  	_ =	shalt  }
0x4a: {  	_ =	shalt  }
0x4b: {  	_ =	shalt  }
0x4c: {  	_ =	shalt  }
0x4d: {  	_ =	shalt  }
0x4e: {  	_ =	shalt  }
0x4f: {  	_ =	shalt  }
0x50: {  	_ =	shalt  }
0x51: {  	_ =	shalt  }
0x52: {  	_ =	shalt  }
0x53: {  	_ =	shalt  }
0x54: {  	_ =	shalt  }
0x55: {  	_ =	shalt  }
0x56: {  	_ =	shalt  }
0x57: {  	_ =	shalt  }
0x58: {  	_ =	shalt  }
0x59: {  	_ =	shalt  }
0x5a: {  	_ =	shalt  }
0x5b: {  	_ =	shalt  }
0x5c: {  	_ =	shalt  }
0x5d: {  	_ =	shalt  }
0x5e: {  	_ =	shalt  }
0x5f: {  	_ =	shalt  }
0x60: {  	_ =	shalt  }
0x61: {  	_ =	shalt  }
0x62: {  	_ =	shalt  }
0x63: {  	_ =	shalt  }
0x64: {  	_ =	shalt  }
0x65: {  	_ =	shalt  }
0x66: {  	_ =	shalt  }
0x67: {  	_ =	shalt  }
0x68: {  	_ =	shalt  }
0x69: {  	_ =	shalt  }
0x6a: {  	_ =	shalt  }
0x6b: {  	_ =	shalt  }
0x6c: {  	_ =	shalt  }
0x6d: {  	_ =	shalt  }
0x6e: {  	_ =	shalt  }
0x6f: {  	_ =	shalt  }
0x70: {  	_ =	shalt  }
0x71: {  	_ =	shalt  }
0x72: {  	_ =	shalt  }
0x73: {  	_ =	shalt  }
0x74: {  	_ =	shalt  }
0x75: {  	_ =	shalt  }
0x76: {  	_ =	shalt  }
0x77: {  	_ =	shalt  }
0x78: {  	_ =	shalt  }
0x79: {  	_ =	shalt  }
0x7a: {  	_ =	shalt  }
0x7b: {  	_ =	shalt  }
0x7c: {  	_ =	shalt  }
0x7d: {  	_ =	shalt  }
0x7e: {  	_ =	shalt  }
0x7f: {  	_ =	shalt  }
0x80: {  	_ =	shalt  }
0x81: {  	_ =	shalt  }
0x82: {  	_ =	shalt  }
0x83: {  	_ =	shalt  }
0x84: {  	_ =	shalt  }
0x85: {  	_ =	shalt  }
0x86: {  	_ =	shalt  }
0x87: {  	_ =	shalt  }
.Lfunc_end0:
.L_simem_size_0:
called_computation_lowered:
.L_overlay_start_0:
0x88: {  	s2 =	sld [smem:$0x3FD9]  }
0x89: {  	s3 =	sld [smem:$0x3FFE];
	_ =	sdelay $0x1  }
0x8a: {  	s1 =	srdreg.scid  }
0x8b: {  	s0 =	sand.u32 $0x1, s1  }
0x8c: {  	s17 =	sshll.u32 s0, $0xA;
	s2 =	sadd.s32 s3, s2  }
0x8d: {  	s2 =	sadd.s32 s2, s17  }
0x8e: {  	[smem:$0x3FBE] =	sst s2  }
0x8f: {  	_ = 	snop  }
0x90: {  	s2 =	sld [smem:$0x3FD0];
	(tm) =	ssettm $0x1  }
0x91: {  	s18 =	sld [smem:$0x3FFB];
	_ =	sdelay $0x3  }
0x92: {  	_ =	strace s18  }
0x93: {  	s3 =	sld [smem:$0x3FFC];
	_ =	sdelay $0x3  }
0x94: {  	_ =	strace s3  }
0x95: {  	s3 =	sld [smem:$0x3FFD];
	_ =	sdelay $0x3  }
0x96: {  	_ =	strace s3  }
0x97: {  	_ =	strace $0x8FFFFFFF  }
0x98: {  	s19 =	sld [smem:$0x3FDB];
	_ =	sdelay $0x1  }
0x99: {  	s4 =	simm.s32 $_scs_section_size  }
0x9a: {  	s5 =	simm.s32 $_size__tile_overlayer_lowered;
	s6 =	simm.s32 $_tile_overlayer_lowered  }
0x9b: {  	s22 =	simm.s32 $0x1BFF;
	s21 =	sshll.u32 s6, $0x1;
	s3 =	sadd.s32 s4, s19  }
0x9c: {  	s7 =	simm.s32 $0x0;
	s20 =	sshll.u32 s5, $0x1;
	s5 =	sadd.s32 s21, s3  }
0x9d: {  	[timem:s7], [sflag:s22] =	dma.local [hbm:s5], s20  }
0x9e: {  	_ =	swait.ge [sflag:s22], s20  }
0x9f: {  	s4 =	ssub.s32 $0x0, s20;
	[sflag:s22] =	ssyncset.done $0x0  }
0xa0: {  	[sflag:s22] =	ssyncadd.s32 s4;
	_ =	sdelay $0x1  }
0xa1: {  	s23 =	simm.s32 $0x1B8B  }
0xa2: {  	_ =	swait.ge [sflag:s23], $0x1  }
0xa3: {  	[sflag:s23] =	ssyncset.done $0x0  }
0xa4: {  	s25 =	simm.s32 $0x1B8E;
	s24 =	sld [smem:$0x3FFE];
	[sflag:s23] =	ssyncadd.s32 $0xFFFFFFFF  }
0xa5: {  	s26 =	simm.s32 $execute0_lowered;
	[smem:$0x3FD2] =	sst s25  }
0xa6: {  	s5 =	sshll.u32 s26, $0x1;
	_ =	strace $0x80000046;
	[dreg:$0x1] =	wrdreg $0xFFFFFFFF  }
0xa7: {  	s28 =	simm.s32 $_size_execute0_lowered;
	s3 =	sadd.s32 s3, s5;
	[dreg:$0x0] =	wrdreg $0x0  }
0xa8: {  	s5 =	sshll.u32 s28, $0x1;
	[dreg:$0x2] =	wrdreg s3  }
0xa9: {  	[dreg:$0x3] =	wrdreg s5  }
0xaa: {  	[dreg:$0x4] =	wrdreg $0xC0  }
0xab: {  	_ =	task [dreg:s7], $0x5FFFF  }
0xac: {  	[dreg:$0x1] =	wrdreg $0xFFFFFFFF  }
0xad: {  	[dreg:$0x0] =	wrdreg $0x60  }
0xae: {  	[dreg:$0x2] =	wrdreg s24  }
0xaf: {  	[dreg:$0x3] =	wrdreg s2  }
0xb0: {  	[dreg:$0x4] =	wrdreg $0x65400  }
0xb1: {  	[dreg:$0x5] =	wrdreg $0x9  }
0xb2: {  	_ =	task.clear_ibuf [dreg:s7], $0x6FFFF;
	_ =	strace $0x90000046  }
0xb3: {  	s29 =	simm.s32 $0x9;
	_ =	strace $0x80000048  }
0xb4: {  	_ =	swait.ge [sflag:s29], $0x1  }
0xb5: {  	[sflag:s29] =	ssyncadd.s32 $0xFFFFFFFF  }
0xb6: {  	_ =	strace $0x90000048  }
0xb7: {  	_ =	sfence  }
0xb8: {  	s30 =	sld [smem:$0x0];
	_ =	sdelay $0x2  }
0xb9: {  	s31 =	sshll.u32 s1, $0xD;
	s1 =	sshrl.u32 s1, $0x2  }
0xba: {  	s3 =	sand.u32 $0x4000, s31;
	s1 =	sadd.s32 s1, s30  }
0xbb: {  	s0 =	sor.u32 s3, s0;
	s1 =	sshll.u32 s1, $0x11  }
0xbc: {  	s0 =	sor.u32 s1, s0  }
0xbd: {  	s0 =	sadd.s32 $0x8F2B, s0  }
0xbe: {  	[sflag:s0] =	ssyncadd.remote.s32 $0x1  }
0xbf: {  	_ =	sfence.sel $0xFFFF  }
0xc0: {  	[dreg:$0x0] =	wrdreg $0xFFFFFFFF;
	(pc) =	sbr.abs _section_cstart, $3  }
0xc1: {  	[dreg:$0x1] =	wrdreg $0xFFFFFFFF  }
0xc2: {  	_ =	task.clear_ibuf [dreg:s7], $0x2FFFF;
	_ =	strace $0x9FFFFFFF  }
0xc3: {  	(tm) =	ssettm $0x7FFFFFFF  }
tec
execute0_lowered:
.L_overlay_start_1:
0x0: {  	(tag) =	ssettag $0x1  }
0x1: {  	s8 =	rddreg [dreg:$0x0]  }
0x2: {  	s1 =	rddreg [dreg:$0x1]  }
0x3: {  	s2 =	rddreg [dreg:$0x2]  }
0x4: {  	s3 =	srdreg.scid;
	s0 =	rddreg [dreg:$0x3];
	s4 =	simm.s32 $0x0  }
0x5: {  	s15 =	simm.s32 $0x4E200;
	s16 =	simm.s32 $0x5B40;
	s17 =	simm.s32 $0x1  }
0x6: {  	s18 =	simm.s32 $0x4;
	s19 =	simm.s32 $0x2;
	s9 =	sand.u32 $0x1, s3  }
0x7: {  	s20 =	simm.s32 $0xF0;
	s3 =	stileid.u32;
	s7 =	smul.u32 $0x15F900, s9  }
0x8: {  	s21 =	simm.s32 $0x2E40;
	[smem:$0x7FF] =	sst s4;
	s10 =	smul.u32 $0x15F90, s3  }
0x9: {  	s5 =	sadd.s32 $0x2000, s8;
	s6 =	sadd.s32 $0x2E000, s8;
	_ =	strace $0x80000047  }
0xa: {  	s11 =	sshll.u32 s3, $0x1;
	s13 =	smul.u32 $0x57E40, s3;
	s12 =	sadd.s32 s10, s7  }
0xb: {  	v0 =	vimm.s32 $0xFFFEDCBA;
	v1 =	vimm.s32 $0x98765432;
	s7 =	sor.u32 s9, s11;
	s9 =	ssub.s32 $0x2, s9;
	s22 =	sadd.s32 s10, s2  }
.Ltmp0:
0xc: {  	v0 =	vunpack.c.l.s4.s8 v0;
	v1 =	vunpack.c.l.s4.s8 v1;
	s31 =	sshrl.u32 s13, $0x2;
	s13 =	simm.s32 $0x3;
	(pc) =	sbr.rel .LBB2_1-.Ltmp0, $4  }
0xd: {  	s28 =	sshrl.u32 s12, $0x3;
	s29 =	smul.u32 $0xA, s7;
	s30 =	sshrl.u32 s9, $0x1  }
0xe: {  	v2 =	vunpack.c.0.s8.s32 v0;
	v1 =	vunpack.c.0.s8.s32 v1;
	s12 =	simm.s32 $0x140;
	s22 =	sshrl.u32 s22, $0x3;
	s11 =	sadd.s32 s28, s8  }
0xf: {  	v3 =	vimm.s32 $0x1;
	vm0 =	vmmov $0x3;
	s14 =	ssub.s32 s9, s30;
	s8 =	sadd.s32 s1, s29;
	s9 =	sadd.s32 $0x33000, s11  }
0x10: {  	v0 =	vimm.f32 $0.0e+00;
	v1 =	vcombine.low v1, v2;
	v2 =	vimm.s32 $0x0;
	s10 =	smax.u32 s14, $0x1;
	s11 =	sadd.s32 s31, s2;
	s14 =	simm.s32 $0x50  }
.LBB2_13:
0x11: {  	s4 =	sadd.s32 $0x1, s4  }
0x12: {  	s23 =	sshll.u32 s3, $0x6;
	p0 =	sne.s32 s4, s10  }
.Ltmp1:
0x13: {  	[bflag:$0x0] =	sbarrier.arrive $0xFFFF;
	s23 =	sor.u32 $0x1C03, s23;
	(pc) =	sbr.rel @!p0 .LBB2_14-.Ltmp1, $4  }
0x14: {  	[hbm:s9], [sflag:s23] =	dma.local [spmem:s22], $0x2BF2  }
0x15: {  	_ =	swait.ge [sflag:s13], $0x2BF2  }
0x16: {  	[sflag:s13] =	ssyncset.done $0x0  }
0x17: {  	[sflag:s13] =	ssyncadd.s32 $0xFFFFD40E  }
.LBB2_1:
0x18: {  	s23 =	simm.s32 $0x80;
	s24 =	simm.s32 $0x440  }
.LBB2_2:
0x19: {  	p0 =	sne.s32 s24, $0xB3C0;
	[tilespmem:s23+$0x140] =	vst v0  }
0x1a: {  	[tilespmem:s23+$0xC0] =	vst v0  }
0x1b: {  	[tilespmem:s23+$0xD0] =	vst v0  }
0x1c: {  	[tilespmem:s23+$0xE0] =	vst v0  }
.Ltmp2:
0x1d: {  	[tilespmem:s23+$0xF0] =	vst v0;
	(pc) =	sbr.rel @p0 .LBB2_2-.Ltmp2, $4  }
0x1e: {  	[tilespmem:s23+$0x100] =	vst v0  }
0x1f: {  	[tilespmem:s23+$0x110] =	vst v0  }
0x20: {  	[tilespmem:s23+$0x120] =	vst v0  }
0x21: {  	[tilespmem:s23+$0x130] =	vst v0;
	s23 =	sshra.s32 s24, $0x2;
	s24 =	sadd.s32 $0x240, s24  }
0x22: {  	[tilespmem:s23+$0x140] =	vst v0  }
0x23: {  	[tilespmem:s23+$0xC0] =	vst v0  }
0x24: {  	[tilespmem:s23+$0xD0] =	vst v0  }
0x25: {  	[tilespmem:s23+$0xE0] =	vst v0  }
0x26: {  	[tilespmem:s23+$0xF0] =	vst v0  }
0x27: {  	[tilespmem:s23+$0x100] =	vst v0  }
0x28: {  	[tilespmem:s23+$0x110] =	vst v0  }
0x29: {  	[tilespmem:s23+$0x120] =	vst v0  }
0x2a: {  	[tilespmem:s23+$0x130] =	vst v0;
	s31 =	sadd.s32 $0x0, s11  }
0x2b: {  	[spmem:s31] =	stream.linear.scatter [tilespmem:s12], [sflag:$0x3], $0xE10, $0x38;
	[tilespmem:$0x1C4D0] =	vst v63  }
0x2c: {  	s23 =	simm.s32 $0x3840;
	_ =	swait.ge [sflag:s13], $0xE10  }
.LBB2_4:
0x2d: {  	s24 =	sshra.s32 s23, $0x2;
	[sflag:s13] =	ssyncset.done $0x0;
	p0 =	sne.s32 s23, $0x54600  }
.Ltmp3:
0x2e: {  	s24 =	sadd.s32 s24, s11;
	[sflag:s13] =	ssyncadd.s32 $0xFFFFF1F0;
	(pc) =	sbr.rel @p0 .LBB2_4-.Ltmp3, $3  }
0x2f: {  	[spmem:s24] =	stream.linear.scatter [tilespmem:s12], [sflag:$0x3], $0xE10, $0x38;
	[tilespmem:$0x1C4D0] =	vst v63  }
0x30: {  	s23 =	sadd.s32 $0x3840, s23;
	_ =	sdelay $0x1  }
0x31: {  	_ =	swait.ge [sflag:s13], $0xE10  }
0x32: {  	[sflag:s13] =	ssyncset.done $0x0  }
0x33: {  	[sflag:s13] =	ssyncadd.s32 $0xFFFFF1F0  }
0x34: {  	s23 =	simm.s32 $0x0;
	[bflag:$0x0] =	sbarrier.arrive $0xFFFF  }
0x35: {  	[tilespmem:s23], [sflag:$0x3] =	stream.strided.gather [hbm4b:s8+s14], $0xA0, s15, s14, $0x38;
	[tilespmem:$0x1C4D0] =	vst v63  }
0x36: {  	_ =	swait.ge [sflag:s13], $0xA0  }
.Ltmp4:
0x37: {  	[sflag:s13] =	ssyncset.done $0x0;
	(pc) =	sbr.rel .LBB2_6-.Ltmp4, $4  }
0x38: {  	[sflag:s13] =	ssyncadd.s32 $0xFFFFFF60  }
0x39: {  	[tilespmem:s12], [sflag:$0x1] =	stream.indirect.gather [hbm4b:s5+s14], $0x90, s23, s14, $0xb8;
	[tilespmem:$0x1C4D0] =	vst v63  }
0x3a: {  	_ = 	snop  }
0x3b: {  	[tilespmem:s16], [sflag:$0x1] =	stream.indirect.gather [hbm4b:s6+s14], $0x10, s14, s14, $0xb8;
	[tilespmem:$0x1C4D0] =	vst v63  }
.LBB2_12:
0x3c: {  	s23 =	sadd.s32 $0x1, s23  }
0x3d: {  	p0 =	sne.s32 s23, $0x3F  }
.Ltmp5:
0x3e: {  	_ = 	snop;
	(pc) =	sbr.rel @!p0 .LBB2_13-.Ltmp5, $1  }
0x3f: {  	_ =	sdelay $0x3  }
.LBB2_6:
0x40: {  	s24 =	sshll.u32 s23, $0x6  }
0x41: {  	s24 =	sor.u32 s7, s24  }
0x42: {  	s25 =	sor.u32 $0x20, s24  }
0x43: {  	p0 =	sgt.u32 s25, $0xF9F  }
0x44: {  	s25 =	smul.u32 @!p0 $0xA, s25  }
0x45: {  	s26 =	simm.s32 @!p0 $0x50  }
0x46: {  	s28 =	simm.s32 @!p0 $0x4E200;
	s29 =	simm.s32 @!p0 $0xA0;
	s25 =	sadd.s32 @!p0 s1, s25  }
0x47: {  	[tilespmem:s29], [sflag:$0x4] =	stream.strided.gather @!p0 [hbm4b:s25+s26], $0xA0, s28, s26, $0x38;
	[tilespmem:$0x1C4D0] =	vst v63  }
0x48: {  	s25 =	simm.s32 @!p0 $0x4  }
0x49: {  	_ =	swait.ge @!p0 [sflag:s25], $0xA0  }
0x4a: {  	[sflag:s25] =	ssyncset.done @!p0 $0x0  }
0x4b: {  	[sflag:s25] =	ssyncadd.s32 @!p0 $0xFFFFFF60;
	s25 =	simm.s32 @!p0 $0x2E40  }
0x4c: {  	[tilespmem:s25], [sflag:$0x2] =	stream.indirect.gather @!p0 [hbm4b:s5+s26], $0x90, s29, s26, $0xb8;
	[tilespmem:$0x1C4D0] =	vst v63  }
0x4d: {  	s28 =	simm.s32 @!p0 $0x6040;
	s25 =	simm.s32 @!p0 $0xF0  }
0x4e: {  	[tilespmem:s28], [sflag:$0x2] =	stream.indirect.gather @!p0 [hbm4b:s6+s26], $0x10, s25, s26, $0xb8;
	[tilespmem:$0x1C4D0] =	vst v63  }
0x4f: {  	_ =	swait.ge [sflag:s17], $0x2D00  }
0x50: {  	[sflag:s17] =	ssyncset.done $0x0  }
0x51: {  	[sflag:s17] =	ssyncadd.s32 $0xFFFFD300  }
0x52: {  	_ =	swait.ge [sflag:s17], $0x500  }
0x53: {  	[sflag:s17] =	ssyncset.done $0x0  }
0x54: {  	s31 =	simm.s32 $0x0;
	[sflag:s17] =	ssyncadd.s32 $0xFFFFFB00  }
0x55: {  	v4 =	vld [tilespmem:s31+$0x5B40]  }
0x56: {  	s25 =	simm.s32 $0x180  }
0x57: {  	v5 =	vld [tilespmem:s25+$0x40];
	_ =	sdelay $0x2  }
0x58: {  	v4 =	vperm.xlane v4, v1;
	_ =	sdelay $0x1  }
0x59: {  	v4 =	vadd.f32 v4, v5;
	_ =	sdelay $0x1  }
0x5a: {  	v5 =	vmul.f32 $2.000000030e-01, v4;
	_ =	sdelay $0x1  }
0x5b: {  	v4 =	vmax.f32 v4, v5  }
0x5c: {  	v4 =	vmul.f32 $1.442695020e+00, v4;
	_ =	sdelay $0x1  }
0x5d: {  	(erf) = vpow2.f32 v4;
	_ =	sdelay $0x6  }
0x5e: {  	v6 =	vld [tilespmem:s25+$0xFFFFFFC0]  }
0x5f: {  	v7 =	vld [tilespmem:s25+$0xFFFFFFD0]  }
0x60: {  	v8 =	vld [tilespmem:s25+$0xFFFFFFE0];
	v9 =	vpop (erf)  }
0x61: {  	v4 =	vld [tilespmem:s25+$0xFFFFFFF0];
	v11 =	vperm.xlane v9, v2  }
0x62: {  	v12 =	vld [tilespmem:s25+$0x0]  }
0x63: {  	v10 =	vld [tilespmem:s25+$0x10];
	v14 =	vnsel vm0, $0x0, v9;
	v6 =	vmul.f32 v6, v11  }
0x64: {  	v5 =	vld [tilespmem:s25+$0x30];
	[tilespmem:s25+$0x40] =	vst v14;
	v7 =	vmul.f32 v7, v11  }
0x65: {  	v13 =	vld [tilespmem:s25+$0x20];
	v9 =	vperm.xlane v9, v3;
	v8 =	vmul.f32 v8, v11;
	[tilespmem:s25+$0xFFFFFFC0] =	vst v6  }
0x66: {  	v4 =	vmul.f32 v4, v11;
	[tilespmem:s25+$0xFFFFFFD0] =	vst v7  }
0x67: {  	v62 =	vmul.f32 v12, v9;
	[tilespmem:s25+$0xFFFFFFE0] =	vst v8  }
0x68: {  	v63 =	vmul.f32 v10, v9;
	[tilespmem:s25+$0xFFFFFFF0] =	vst v4  }
0x69: {  	v5 =	vmul.f32 v5, v9;
	[tilespmem:s25+$0x0] =	vst v62  }
0x6a: {  	v4 =	vmul.f32 v13, v9;
	[tilespmem:s25+$0x10] =	vst v63  }
0x6b: {  	[tilespmem:s25+$0x30] =	vst v5  }
0x6c: {  	s28 =	simm.s32 $0x10;
	s26 =	simm.s32 $0x80;
	[tilespmem:s25+$0x20] =	vst v4  }
.LBB2_7:
0x6d: {  	p1 =	sne.s32 s26, $0x13C0;
	v4 =	vld [tilespmem:s28+$0x5B40]  }
0x6e: {  	s25 =	sadd.s32 $0x90, s25  }
0x6f: {  	v5 =	vld [tilespmem:s25+$0x40];
	_ =	sdelay $0x2  }
0x70: {  	v4 =	vperm.xlane v4, v1;
	_ =	sdelay $0x1  }
0x71: {  	v4 =	vadd.f32 v4, v5;
	_ =	sdelay $0x1  }
0x72: {  	v5 =	vmul.f32 $2.000000030e-01, v4;
	_ =	sdelay $0x1  }
0x73: {  	v4 =	vmax.f32 v4, v5  }
0x74: {  	v4 =	vmul.f32 $1.442695020e+00, v4;
	_ =	sdelay $0x1  }
0x75: {  	(erf) = vpow2.f32 v4;
	_ =	sdelay $0x2  }
0x76: {  	v4 =	vld [tilespmem:s25+$0xFFFFFFF0]  }
0x77: {  	v5 =	vld [tilespmem:s25+$0x30]  }
0x78: {  	v6 =	vld [tilespmem:s25+$0x10]  }
0x79: {  	v7 =	vld [tilespmem:s25+$0xFFFFFFD0]  }
0x7a: {  	v8 =	vld [tilespmem:s25+$0xFFFFFFC0]  }
0x7b: {  	v9 =	vld [tilespmem:s25+$0xFFFFFFE0]  }
0x7c: {  	v10 =	vld [tilespmem:s25+$0x0];
	v11 =	vpop (erf)  }
0x7d: {  	v12 =	vperm.xlane v11, v2;
	v13 =	vperm.xlane v11, v3;
	v14 =	vld [tilespmem:s25+$0x20];
	v11 =	vnsel vm0, $0x0, v11  }
0x7e: {  	[tilespmem:s25+$0x40] =	vst v11  }
0x7f: {  	v8 =	vmul.f32 v8, v12;
	v7 =	vmul.f32 v7, v12  }
0x80: {  	v4 =	vmul.f32 v4, v12;
	v9 =	vmul.f32 v9, v12  }
0x81: {  	v6 =	vmul.f32 v6, v13;
	[tilespmem:s25+$0xFFFFFFC0] =	vst v8;
	v8 =	vmul.f32 v10, v13  }
0x82: {  	v5 =	vmul.f32 v5, v13;
	[tilespmem:s25+$0xFFFFFFD0] =	vst v7;
	v7 =	vmul.f32 v14, v13  }
0x83: {  	[tilespmem:s25+$0xFFFFFFE0] =	vst v9  }
.Ltmp6:
0x84: {  	[tilespmem:s25+$0xFFFFFFF0] =	vst v4;
	(pc) =	sbr.rel @p1 .LBB2_7-.Ltmp6, $4  }
0x85: {  	[tilespmem:s25+$0x0] =	vst v8  }
0x86: {  	[tilespmem:s25+$0x10] =	vst v6  }
0x87: {  	[tilespmem:s25+$0x20] =	vst v7  }
0x88: {  	s28 =	sshra.s32 s26, $0x2;
	s26 =	sadd.s32 $0x40, s26;
	[tilespmem:s25+$0x30] =	vst v5  }
0x89: {  	v4 =	vld [tilespmem:s28+$0x5B40]  }
0x8a: {  	s25 =	sadd.s32 $0x90, s25  }
0x8b: {  	v5 =	vld [tilespmem:s25+$0x40];
	_ =	sdelay $0x2  }
0x8c: {  	v4 =	vperm.xlane v4, v1;
	_ =	sdelay $0x1  }
0x8d: {  	v4 =	vadd.f32 v4, v5;
	_ =	sdelay $0x1  }
0x8e: {  	v5 =	vmul.f32 $2.000000030e-01, v4;
	_ =	sdelay $0x1  }
0x8f: {  	v4 =	vmax.f32 v4, v5  }
0x90: {  	v4 =	vmul.f32 $1.442695020e+00, v4;
	_ =	sdelay $0x1  }
0x91: {  	(erf) = vpow2.f32 v4;
	_ =	sdelay $0x6  }
0x92: {  	v4 =	vld [tilespmem:s25+$0xFFFFFFC0]  }
0x93: {  	v5 =	vld [tilespmem:s25+$0xFFFFFFD0]  }
0x94: {  	v6 =	vld [tilespmem:s25+$0xFFFFFFE0];
	v7 =	vpop (erf)  }
0x95: {  	v11 =	vld [tilespmem:s25+$0x10];
	v9 =	vperm.xlane v7, v2  }
0x96: {  	v8 =	vld [tilespmem:s25+$0xFFFFFFF0]  }
0x97: {  	v10 =	vld [tilespmem:s25+$0x0];
	v12 =	vnsel vm0, $0x0, v7;
	v4 =	vmul.f32 v4, v9  }
0x98: {  	v13 =	vld [tilespmem:s25+$0x20];
	v7 =	vperm.xlane v7, v3;
	[tilespmem:s25+$0x40] =	vst v12;
	v5 =	vmul.f32 v5, v9  }
0x99: {  	v62 =	vld [tilespmem:s25+$0x30];
	v6 =	vmul.f32 v6, v9;
	[tilespmem:s25+$0xFFFFFFC0] =	vst v4  }
0x9a: {  	v63 =	vmul.f32 v11, v7;
	[tilespmem:s25+$0xFFFFFFD0] =	vst v5  }
0x9b: {  	v4 =	vmul.f32 v8, v9;
	[tilespmem:s25+$0xFFFFFFE0] =	vst v6  }
0x9c: {  	v5 =	vmul.f32 v10, v7;
	[tilespmem:s25+$0x10] =	vst v63  }
0x9d: {  	[tilespmem:s25+$0xFFFFFFF0] =	vst v4;
	v4 =	vmul.f32 v13, v7  }
0x9e: {  	[tilespmem:s25+$0x0] =	vst v5;
	v5 =	vmul.f32 v62, v7  }
0x9f: {  	p1 =	seq.s32 s23, $0x3E;
	[tilespmem:s25+$0x20] =	vst v4  }
0xa0: {  	s24 =	smul.u32 @!p1 $0x50, s24;
	[tilespmem:s25+$0x30] =	vst v5  }
0xa1: {  	[spmem:s2] =	stream.indirect.scatter.add.f32 [tilespmem:s12], [sflag:$0x4], $0x90, s14, s14, $0xb8;
	[tilespmem:$0x1C4D0] =	vst v63  }
0xa2: {  	s26 =	simm.s32 @!p1 $0x4E200;
	s24 =	sshrl.u32 @!p1 s24, $0x3;
	_ =	swait.ge [sflag:s18], $0x2D00  }
0xa3: {  	s28 =	simm.s32 @!p1 $0x0;
	s24 =	sadd.s32 @!p1 s1, s24;
	[sflag:s18] =	ssyncset.done $0x0  }
0xa4: {  	s24 =	sadd.s32 @!p1 $0x280, s24;
	s25 =	simm.s32 @!p1 $0x50;
	[sflag:s18] =	ssyncadd.s32 $0xFFFFD300  }
0xa5: {  	[tilespmem:s28], [sflag:$0x4] =	stream.strided.gather @!p1 [hbm4b:s24+s25], $0xA0, s26, s25, $0x38;
	[tilespmem:$0x1C4D0] =	vst v63  }
0xa6: {  	s24 =	simm.s32 @!p1 $0x4  }
0xa7: {  	_ =	swait.ge @!p1 [sflag:s24], $0xA0  }
.Ltmp7:
0xa8: {  	[sflag:s24] =	ssyncset.done @!p1 $0x0;
	(pc) =	sbr.rel @p0 .LBB2_12-.Ltmp7, $4  }
0xa9: {  	[sflag:s24] =	ssyncadd.s32 @!p1 $0xFFFFFF60;
	s24 =	simm.s32 @!p1 $0x140  }
0xaa: {  	[tilespmem:s24], [sflag:$0x1] =	stream.indirect.gather @!p1 [hbm4b:s5+s25], $0x90, s28, s25, $0xb8;
	[tilespmem:$0x1C4D0] =	vst v63  }
0xab: {  	s24 =	simm.s32 @!p1 $0x5B40  }
0xac: {  	[tilespmem:s24], [sflag:$0x1] =	stream.indirect.gather @!p1 [hbm4b:s6+s25], $0x10, s25, s25, $0xb8;
	[tilespmem:$0x1C4D0] =	vst v63  }
0xad: {  	_ =	swait.ge [sflag:s19], $0x2D00  }
0xae: {  	[sflag:s19] =	ssyncset.done $0x0  }
0xaf: {  	[sflag:s19] =	ssyncadd.s32 $0xFFFFD300  }
0xb0: {  	_ =	swait.ge [sflag:s19], $0x500  }
0xb1: {  	[sflag:s19] =	ssyncset.done $0x0  }
0xb2: {  	s24 =	simm.s32 $0x0;
	[sflag:s19] =	ssyncadd.s32 $0xFFFFFB00  }
0xb3: {  	v4 =	vld [tilespmem:s24+$0x6040]  }
0xb4: {  	s24 =	simm.s32 $0x2E80  }
0xb5: {  	v5 =	vld [tilespmem:s24+$0x40];
	_ =	sdelay $0x2  }
0xb6: {  	v4 =	vperm.xlane v4, v1;
	_ =	sdelay $0x1  }
0xb7: {  	v4 =	vadd.f32 v4, v5;
	_ =	sdelay $0x1  }
0xb8: {  	v5 =	vmul.f32 $2.000000030e-01, v4;
	_ =	sdelay $0x1  }
0xb9: {  	v4 =	vmax.f32 v4, v5  }
0xba: {  	v4 =	vmul.f32 $1.442695020e+00, v4;
	_ =	sdelay $0x1  }
0xbb: {  	(erf) = vpow2.f32 v4;
	_ =	sdelay $0x6  }
0xbc: {  	v6 =	vld [tilespmem:s24+$0xFFFFFFC0]  }
0xbd: {  	v7 =	vld [tilespmem:s24+$0xFFFFFFD0]  }
0xbe: {  	v8 =	vld [tilespmem:s24+$0xFFFFFFE0];
	v9 =	vpop (erf)  }
0xbf: {  	v4 =	vld [tilespmem:s24+$0xFFFFFFF0];
	v11 =	vperm.xlane v9, v2  }
0xc0: {  	v12 =	vld [tilespmem:s24+$0x0]  }
0xc1: {  	v10 =	vld [tilespmem:s24+$0x10];
	v14 =	vnsel vm0, $0x0, v9;
	v6 =	vmul.f32 v6, v11  }
0xc2: {  	v5 =	vld [tilespmem:s24+$0x30];
	[tilespmem:s24+$0x40] =	vst v14;
	v7 =	vmul.f32 v7, v11  }
0xc3: {  	v13 =	vld [tilespmem:s24+$0x20];
	v9 =	vperm.xlane v9, v3;
	v8 =	vmul.f32 v8, v11;
	[tilespmem:s24+$0xFFFFFFC0] =	vst v6  }
0xc4: {  	v4 =	vmul.f32 v4, v11;
	[tilespmem:s24+$0xFFFFFFD0] =	vst v7  }
0xc5: {  	v62 =	vmul.f32 v12, v9;
	[tilespmem:s24+$0xFFFFFFE0] =	vst v8  }
0xc6: {  	v63 =	vmul.f32 v10, v9;
	[tilespmem:s24+$0xFFFFFFF0] =	vst v4  }
0xc7: {  	v5 =	vmul.f32 v5, v9;
	[tilespmem:s24+$0x0] =	vst v62  }
0xc8: {  	v4 =	vmul.f32 v13, v9;
	[tilespmem:s24+$0x10] =	vst v63  }
0xc9: {  	[tilespmem:s24+$0x30] =	vst v5  }
0xca: {  	s26 =	simm.s32 $0x10;
	s25 =	simm.s32 $0x80;
	[tilespmem:s24+$0x20] =	vst v4  }
.LBB2_10:
0xcb: {  	p0 =	sne.s32 s25, $0x13C0;
	v4 =	vld [tilespmem:s26+$0x6040]  }
0xcc: {  	s24 =	sadd.s32 $0x90, s24  }
0xcd: {  	v5 =	vld [tilespmem:s24+$0x40];
	_ =	sdelay $0x2  }
0xce: {  	v4 =	vperm.xlane v4, v1;
	_ =	sdelay $0x1  }
0xcf: {  	v4 =	vadd.f32 v4, v5;
	_ =	sdelay $0x1  }
0xd0: {  	v5 =	vmul.f32 $2.000000030e-01, v4;
	_ =	sdelay $0x1  }
0xd1: {  	v4 =	vmax.f32 v4, v5  }
0xd2: {  	v4 =	vmul.f32 $1.442695020e+00, v4;
	_ =	sdelay $0x1  }
0xd3: {  	(erf) = vpow2.f32 v4;
	_ =	sdelay $0x2  }
0xd4: {  	v4 =	vld [tilespmem:s24+$0xFFFFFFF0]  }
0xd5: {  	v5 =	vld [tilespmem:s24+$0x30]  }
0xd6: {  	v6 =	vld [tilespmem:s24+$0x10]  }
0xd7: {  	v7 =	vld [tilespmem:s24+$0xFFFFFFD0]  }
0xd8: {  	v8 =	vld [tilespmem:s24+$0xFFFFFFC0]  }
0xd9: {  	v9 =	vld [tilespmem:s24+$0xFFFFFFE0]  }
0xda: {  	v10 =	vld [tilespmem:s24+$0x0];
	v11 =	vpop (erf)  }
0xdb: {  	v12 =	vperm.xlane v11, v2;
	v13 =	vperm.xlane v11, v3;
	v14 =	vld [tilespmem:s24+$0x20];
	v11 =	vnsel vm0, $0x0, v11  }
0xdc: {  	[tilespmem:s24+$0x40] =	vst v11  }
0xdd: {  	v8 =	vmul.f32 v8, v12;
	v7 =	vmul.f32 v7, v12  }
0xde: {  	v4 =	vmul.f32 v4, v12;
	v9 =	vmul.f32 v9, v12  }
0xdf: {  	v6 =	vmul.f32 v6, v13;
	[tilespmem:s24+$0xFFFFFFC0] =	vst v8;
	v8 =	vmul.f32 v10, v13  }
0xe0: {  	v5 =	vmul.f32 v5, v13;
	[tilespmem:s24+$0xFFFFFFD0] =	vst v7;
	v7 =	vmul.f32 v14, v13  }
0xe1: {  	[tilespmem:s24+$0xFFFFFFE0] =	vst v9  }
.Ltmp8:
0xe2: {  	[tilespmem:s24+$0xFFFFFFF0] =	vst v4;
	(pc) =	sbr.rel @p0 .LBB2_10-.Ltmp8, $4  }
0xe3: {  	[tilespmem:s24+$0x0] =	vst v8  }
0xe4: {  	[tilespmem:s24+$0x10] =	vst v6  }
0xe5: {  	[tilespmem:s24+$0x20] =	vst v7  }
0xe6: {  	s26 =	sshra.s32 s25, $0x2;
	s25 =	sadd.s32 $0x40, s25;
	[tilespmem:s24+$0x30] =	vst v5  }
0xe7: {  	v4 =	vld [tilespmem:s26+$0x6040]  }
0xe8: {  	s24 =	sadd.s32 $0x90, s24  }
0xe9: {  	v5 =	vld [tilespmem:s24+$0x40];
	_ =	sdelay $0x2  }
0xea: {  	v4 =	vperm.xlane v4, v1;
	_ =	sdelay $0x1  }
0xeb: {  	v4 =	vadd.f32 v4, v5;
	_ =	sdelay $0x1  }
0xec: {  	v5 =	vmul.f32 $2.000000030e-01, v4;
	_ =	sdelay $0x1  }
0xed: {  	v4 =	vmax.f32 v4, v5  }
0xee: {  	v4 =	vmul.f32 $1.442695020e+00, v4;
	_ =	sdelay $0x1  }
0xef: {  	(erf) = vpow2.f32 v4;
	_ =	sdelay $0x6  }
0xf0: {  	v4 =	vld [tilespmem:s24+$0xFFFFFFC0]  }
0xf1: {  	v5 =	vld [tilespmem:s24+$0xFFFFFFD0]  }
0xf2: {  	v6 =	vld [tilespmem:s24+$0xFFFFFFE0];
	v7 =	vpop (erf)  }
0xf3: {  	v11 =	vld [tilespmem:s24+$0x10];
	v9 =	vperm.xlane v7, v2  }
0xf4: {  	v8 =	vld [tilespmem:s24+$0xFFFFFFF0]  }
0xf5: {  	v10 =	vld [tilespmem:s24+$0x0];
	v12 =	vnsel vm0, $0x0, v7;
	v4 =	vmul.f32 v4, v9  }
0xf6: {  	v13 =	vld [tilespmem:s24+$0x20];
	v7 =	vperm.xlane v7, v3;
	[tilespmem:s24+$0x40] =	vst v12;
	v5 =	vmul.f32 v5, v9  }
0xf7: {  	v62 =	vld [tilespmem:s24+$0x30];
	v6 =	vmul.f32 v6, v9;
	[tilespmem:s24+$0xFFFFFFC0] =	vst v4  }
0xf8: {  	v63 =	vmul.f32 v11, v7;
	[tilespmem:s24+$0xFFFFFFD0] =	vst v5  }
0xf9: {  	v4 =	vmul.f32 v8, v9;
	[tilespmem:s24+$0xFFFFFFE0] =	vst v6  }
0xfa: {  	v5 =	vmul.f32 v10, v7;
	[tilespmem:s24+$0x10] =	vst v63  }
0xfb: {  	[tilespmem:s24+$0xFFFFFFF0] =	vst v4;
	v4 =	vmul.f32 v13, v7  }
0xfc: {  	[tilespmem:s24+$0x0] =	vst v5;
	v5 =	vmul.f32 v62, v7  }
0xfd: {  	[tilespmem:s24+$0x20] =	vst v4  }
.Ltmp9:
0xfe: {  	[tilespmem:s24+$0x30] =	vst v5;
	(pc) =	sbr.rel .LBB2_12-.Ltmp9, $4  }
0xff: {  	[spmem:s2] =	stream.indirect.scatter.add.f32 [tilespmem:s21], [sflag:$0x3], $0x90, s20, s14, $0xb8;
	[tilespmem:$0x1C4D0] =	vst v63  }
0x100: {  	_ =	swait.ge [sflag:s13], $0x2D00  }
0x101: {  	[sflag:s13] =	ssyncset.done $0x0  }
0x102: {  	[sflag:s13] =	ssyncadd.s32 $0xFFFFD300  }
.LBB2_14:
0x103: {  	_ =	sfence.sel $0x180000  }
0x104: {  	[bflag:$0x0] =	sbarrier.arrive $0xFFFF  }
0x105: {  	p0 =	sne.s32 s3, $0x0;
	_ =	strace $0x90000047  }
0x106: {  	s0 =	sadd.s32 @!p0 $0x100000, s0;
	[bflag:$0x2] =	sbarrier.arrive $0xFFFF  }
0x107: {  	[sflag:s0] =	ssyncadd.tile.s32 @!p0 $0x1;
	_ =	shalt  }
.Lfunc_end2:
_tile_overlayer_lowered:
.L_overlay_start_2:
0x108: {  	(tag) =	ssettag $0x2  }
0x109: {  	s0 =	rddreg [dreg:$0x0];
	s2 =	stileid.u32  }
0x10a: {  	s1 =	rddreg [dreg:$0x1];
	p0 =	sne.s32 s2, $0x0  }
0x10b: {  	s3 =	rddreg [dreg:$0x2];
	[bflag:$0x3] =	sbarrier.arrive $0xFFFF;
	s2 =	simm.s32 @!p0 $0x1C03  }
0x10c: {  	[timem:s3], [sflag:s2] =	dma.local @!p0 [hbm:s0], s1  }
0x10d: {  	s0 =	simm.s32 @!p0 $0x3  }
0x10e: {  	_ =	swait.ge @!p0 [sflag:s0], s1  }
0x10f: {  	s1 =	ssub.s32 @!p0 $0x0, s1;
	[sflag:s0] =	ssyncset.done @!p0 $0x0  }
0x110: {  	[sflag:s0] =	ssyncadd.s32 @!p0 s1  }
0x111: {  	[bflag:$0x3] =	sbarrier.arrive $0xFFFF  }
0x112: {  	_ =	shalt  }

</sc_bundles>
